<compile_context>
chip_gen: v7x
topology: tpu7x:2x2x1
jax: 0.10.2.dev20260603
libtpu: 0.0.44.dev20260713+nightly
codegen_flags: <defaults>
</compile_context>

<pallas_src>
import functools

import jax
import jax.numpy as jnp
from jax import lax
from jax.experimental import pallas as pl
from jax.experimental.pallas import tpu as pltpu
from jax.experimental.pallas import tpu_sc as plsc

D = 128
B = 4096
S = 200
TIME = 1440
TOTAL = B * S
NC = 2
NS = 16
NW = NC * NS
PER_W = TOTAL // NW
C = 128
CH = PER_W // C
NBUF = 5
LEAD = 3


def _build():
  mesh = plsc.VectorSubcoreMesh(core_axis_name="c", subcore_axis_name="s")

  @functools.partial(
      pl.kernel,
      mesh=mesh,
      out_type=[
          jax.ShapeDtypeStruct((TOTAL, D), jnp.float32),
          jax.ShapeDtypeStruct((TOTAL, D), jnp.float32),
      ],
      scratch_types=[
          pltpu.VMEM((CH, C), jnp.int32),
          pltpu.VMEM_SHARED((TIME, D), jnp.float32),
      ] + [pltpu.VMEM((C, D), jnp.float32) for _ in range(NBUF)]
        + [pltpu.SemaphoreType.DMA for _ in range(2 * NBUF)],
  )
  def body(seq_hbm, ts_hbm, tok_hbm, time_hbm, out_tok, out_time,
           idx_v, time_sp, *bufs_and_sems):
    bufs = bufs_and_sems[:NBUF]
    gsems = bufs_and_sems[NBUF:2 * NBUF]
    wsems = bufs_and_sems[2 * NBUF:]
    wid = lax.axis_index("s") * NC + lax.axis_index("c")
    base = wid * PER_W

    @pl.when(lax.axis_index("s") == 0)
    def _():
      pltpu.sync_copy(time_hbm, time_sp)

    plsc.subcore_barrier()

    def run(idx_hbm, table, out):
      pltpu.sync_copy(idx_hbm.at[wid], idx_v)

      for b in range(LEAD):
        pltpu.async_copy(table.at[idx_v.at[b]], bufs[b], gsems[b])

      def outer(g, carry):
        for b in range(NBUF):
          j = g * NBUF + b
          f = j + LEAD
          bf = (b + LEAD) % NBUF

          @pl.when((j >= NBUF - LEAD) & (f < CH))
          def _():
            pltpu.make_async_copy(bufs[bf], out.at[pl.ds(0, C)],
                                  wsems[bf]).wait()

          @pl.when(f < CH)
          def _():
            pltpu.async_copy(table.at[idx_v.at[f]], bufs[bf], gsems[bf])

          pltpu.make_async_copy(table.at[idx_v.at[j]], bufs[b],
                                gsems[b]).wait()
          pltpu.async_copy(bufs[b], out.at[pl.ds(base + j * C, C)], wsems[b])
        return carry

      lax.fori_loop(0, CH // NBUF, outer, 0)

      for b in range(NBUF):
        pltpu.make_async_copy(bufs[b], out.at[pl.ds(0, C)], wsems[b]).wait()

    run(seq_hbm, tok_hbm, out_tok)
    run(ts_hbm, time_sp, out_time)

  return body


_gather = _build()


def kernel(seq, ts, token_table, time_table):
  seq3 = seq.astype(jnp.int32).reshape(NW, CH, C)
  ts3 = ts.astype(jnp.int32).reshape(NW, CH, C)
  out_tok, out_time = _gather(seq3, ts3, token_table, time_table)
  return (out_tok.reshape(B, S, D), out_time.reshape(B, S, D))

# --- scband reference (transcript-rebuilt; emitter-appended) ---
"""Pipeline reference for scband-learnable-patch-embed-62577673503686 (READ-ONLY COPY).

The authoritative reference and input builder live on the scoring server;
editing this copy changes nothing except your own understanding.
"""

import jax, jax.numpy as jnp
import numpy as np

VOCAB_SIZE = 100000
TIME_SIZE = 1440
EMBED_DIM = 128
BATCH = 4096
SEQ_LEN = 200


def setup_inputs(seed: int = 0) -> dict:
    key = jax.random.key(seed)
    k1, k2, k3, k4 = jax.random.split(key, 4)
    seq = jax.random.randint(k1, (BATCH, SEQ_LEN), 0, VOCAB_SIZE, dtype=jnp.int64 if jax.config.jax_enable_x64 else jnp.int32)
    ts = jax.random.randint(k2, (BATCH, SEQ_LEN), 0, TIME_SIZE, dtype=jnp.int64 if jax.config.jax_enable_x64 else jnp.int32)
    token_table = jax.random.normal(k3, (VOCAB_SIZE, EMBED_DIM), dtype=jnp.float32)
    time_table = jax.random.normal(k4, (TIME_SIZE, EMBED_DIM), dtype=jnp.float32)
    return {"seq": seq, "ts": ts, "token_table": token_table, "time_table": time_table}


def reference(seq, ts, token_table, time_table):
    # nn.Embedding lookup == row gather from the table
    x = jnp.take(token_table, seq, axis=0)
    ts_ = jnp.take(time_table, ts, axis=0)
    return (x, ts_)

if __name__ == "__main__":
    import jax
    _d = setup_inputs()
    print(jax.jit(kernel)(*tuple(_d.values())))

</pallas_src>

<mosaic_0001>
#map = affine_map<(d0, d1) -> (0, 0, 0)>
#map1 = affine_map<(d0, d1) -> (0, 0)>
module attributes {stable_mosaic.version = 14 : i64} {
  func.func @body(%arg0: i32, %arg1: i32, %arg2: memref<32x200x128xi32, #tpu.memory_space<hbm>>, %arg3: memref<32x200x128xi32, #tpu.memory_space<hbm>>, %arg4: memref<100000x128xf32, #tpu.memory_space<hbm>>, %arg5: memref<1440x128xf32, #tpu.memory_space<hbm>>, %arg6: memref<819200x128xf32, #tpu.memory_space<hbm>>, %arg7: memref<819200x128xf32, #tpu.memory_space<hbm>>, %arg8: memref<200x128xi32, #tpu.memory_space<vmem>>, %arg9: memref<1440x128xf32, #tpu.memory_space<vmem_shared>>, %arg10: memref<128x128xf32, #tpu.memory_space<vmem>>, %arg11: memref<128x128xf32, #tpu.memory_space<vmem>>, %arg12: memref<128x128xf32, #tpu.memory_space<vmem>>, %arg13: memref<128x128xf32, #tpu.memory_space<vmem>>, %arg14: memref<128x128xf32, #tpu.memory_space<vmem>>, %arg15: memref<!tpu.dma_semaphore, #tpu.memory_space<semaphore_mem>>, %arg16: memref<!tpu.dma_semaphore, #tpu.memory_space<semaphore_mem>>, %arg17: memref<!tpu.dma_semaphore, #tpu.memory_space<semaphore_mem>>, %arg18: memref<!tpu.dma_semaphore, #tpu.memory_space<semaphore_mem>>, %arg19: memref<!tpu.dma_semaphore, #tpu.memory_space<semaphore_mem>>, %arg20: memref<!tpu.dma_semaphore, #tpu.memory_space<semaphore_mem>>, %arg21: memref<!tpu.dma_semaphore, #tpu.memory_space<semaphore_mem>>, %arg22: memref<!tpu.dma_semaphore, #tpu.memory_space<semaphore_mem>>, %arg23: memref<!tpu.dma_semaphore, #tpu.memory_space<semaphore_mem>>, %arg24: memref<!tpu.dma_semaphore, #tpu.memory_space<semaphore_mem>>) attributes {dimension_semantics = [#tpu.dimension_semantics<core_parallel>, #tpu.dimension_semantics<subcore_parallel>], iteration_bounds = array<i64: 2, 16>, scalar_prefetch = 0 : i64, scratch_operands = 17 : i64, tpu.core_type = #tpu.core_type<sc_vector_subcore>, window_params = [{transform_indices = #map}, {transform_indices = #map}, {transform_indices = #map1}, {transform_indices = #map1}, {transform_indices = #map1}, {transform_indices = #map1}]} {
    %mul3A = arith.constant 2 : i32
    %mul3A_0 = arith.muli %arg1, %mul3A : i32
    %add3A = arith.addi %mul3A_0, %arg0 : i32
    %mul3A_1 = arith.constant 25600 : i32
    %mul3A_2 = arith.muli %add3A, %mul3A_1 : i32
    %eq3A = arith.constant 0 : i32
    %eq3A_3 = arith.cmpi eq, %arg1, %eq3A : i32
    %convert_element_type3A = arith.extui %eq3A_3 : i1 to i32
    %cond3A = arith.constant 0 : i32
    %cond3A_4 = arith.cmpi ne, %convert_element_type3A, %cond3A : i32
    scf.if %cond3A_4 {
      "tpu.region"() ({
        %run_scoped3A = tpu.sem_alloc : memref<!tpu.dma_semaphore, #tpu.memory_space<semaphore_mem>>
        tpu.enqueue_dma source(%arg5 : memref<1440x128xf32, #tpu.memory_space<hbm>>) target(%arg9 : memref<1440x128xf32, #tpu.memory_space<vmem_shared>>) target_semaphore(%run_scoped3A : memref<!tpu.dma_semaphore, #tpu.memory_space<semaphore_mem>>)
        tpu.wait_dma2 semaphore(%run_scoped3A : memref<!tpu.dma_semaphore, #tpu.memory_space<semaphore_mem>>) src(%arg5 : memref<1440x128xf32, #tpu.memory_space<hbm>>) dst(%arg9 : memref<1440x128xf32, #tpu.memory_space<vmem_shared>>)
        tpu.yield
      }) : () -> ()
    } else {
    }
    %barrier3A = arith.constant 0 : index
    tpu.barrier barrier_id(%barrier3A)
    "tpu.region"() ({
      %run_scoped3A = tpu.sem_alloc : memref<!tpu.dma_semaphore, #tpu.memory_space<semaphore_mem>>
      %dma_start3A_116 = arith.constant 0 : i32
      %dma_start3A_117 = arith.constant 0 : i32
      %dma_start3A_118 = tpu.memref_slice %arg2[%add3A, %dma_start3A_116, %dma_start3A_117] : memref<32x200x128xi32, #tpu.memory_space<hbm>> -> memref<1x200x128xi32, #tpu.memory_space<hbm>>
      %dma_start3A_119 = tpu.memref_squeeze %dma_start3A_118 : memref<1x200x128xi32, #tpu.memory_space<hbm>> -> memref<200x128xi32, #tpu.memory_space<hbm>>
      %dma_start3A_120 = arith.constant 0 : i32
      %dma_start3A_121 = arith.constant 0 : i32
      %dma_start3A_122 = tpu.memref_slice %arg2[%add3A, %dma_start3A_120, %dma_start3A_121] : memref<32x200x128xi32, #tpu.memory_space<hbm>> -> memref<1x200x128xi32, #tpu.memory_space<hbm>>
      %dma_start3A_123 = tpu.memref_squeeze %dma_start3A_122 : memref<1x200x128xi32, #tpu.memory_space<hbm>> -> memref<200x128xi32, #tpu.memory_space<hbm>>
      tpu.enqueue_dma source(%dma_start3A_123 : memref<200x128xi32, #tpu.memory_space<hbm>>) target(%arg8 : memref<200x128xi32, #tpu.memory_space<vmem>>) target_semaphore(%run_scoped3A : memref<!tpu.dma_semaphore, #tpu.memory_space<semaphore_mem>>)
      %dma_wait3A_124 = arith.constant 0 : i32
      %dma_wait3A_125 = arith.constant 0 : i32
      %dma_wait3A_126 = tpu.memref_slice %arg2[%add3A, %dma_wait3A_124, %dma_wait3A_125] : memref<32x200x128xi32, #tpu.memory_space<hbm>> -> memref<1x200x128xi32, #tpu.memory_space<hbm>>
      %dma_wait3A_127 = tpu.memref_squeeze %dma_wait3A_126 : memref<1x200x128xi32, #tpu.memory_space<hbm>> -> memref<200x128xi32, #tpu.memory_space<hbm>>
      %dma_wait3A_128 = arith.constant 0 : i32
      %dma_wait3A_129 = arith.constant 0 : i32
      %dma_wait3A_130 = tpu.memref_slice %arg2[%add3A, %dma_wait3A_128, %dma_wait3A_129] : memref<32x200x128xi32, #tpu.memory_space<hbm>> -> memref<1x200x128xi32, #tpu.memory_space<hbm>>
      %dma_wait3A_131 = tpu.memref_squeeze %dma_wait3A_130 : memref<1x200x128xi32, #tpu.memory_space<hbm>> -> memref<200x128xi32, #tpu.memory_space<hbm>>
      tpu.wait_dma2 semaphore(%run_scoped3A : memref<!tpu.dma_semaphore, #tpu.memory_space<semaphore_mem>>) src(%dma_wait3A_131 : memref<200x128xi32, #tpu.memory_space<hbm>>) dst(%arg8 : memref<200x128xi32, #tpu.memory_space<vmem>>)
      tpu.yield
    }) : () -> ()
    %dma_start3A = arith.constant 0 : i32
    %dma_start3A_5 = arith.constant 0 : i32
    %dma_start3A_6 = tpu.memref_slice %arg8[%dma_start3A, %dma_start3A_5] : memref<200x128xi32, #tpu.memory_space<vmem>> -> memref<1x128xi32, #tpu.memory_space<vmem>>
    %dma_start3A_7 = tpu.memref_squeeze %dma_start3A_6 : memref<1x128xi32, #tpu.memory_space<vmem>> -> memref<128xi32, #tpu.memory_space<vmem>>
    %dma_start3A_8 = arith.constant 0 : i32
    %dma_start3A_9 = arith.constant 0 : i32
    %dma_start3A_10 = tpu.memref_slice %arg4[%dma_start3A_8, %dma_start3A_9] : memref<100000x128xf32, #tpu.memory_space<hbm>> -> memref<100000x128xf32, #tpu.memory_space<hbm>>
    tpu.enqueue_indirect_dma source(%dma_start3A_10 : memref<100000x128xf32, #tpu.memory_space<hbm>>) target(%arg10 : memref<128x128xf32, #tpu.memory_space<vmem>>) offsets(%dma_start3A_7 : memref<128xi32, #tpu.memory_space<vmem>>) semaphore(%arg15 : memref<!tpu.dma_semaphore, #tpu.memory_space<semaphore_mem>>)
    %dma_start3A_11 = arith.constant 1 : i32
    %dma_start3A_12 = arith.constant 0 : i32
    %dma_start3A_13 = tpu.memref_slice %arg8[%dma_start3A_11, %dma_start3A_12] : memref<200x128xi32, #tpu.memory_space<vmem>> -> memref<1x128xi32, #tpu.memory_space<vmem>>
    %dma_start3A_14 = tpu.memref_squeeze %dma_start3A_13 : memref<1x128xi32, #tpu.memory_space<vmem>> -> memref<128xi32, #tpu.memory_space<vmem>>
    %dma_start3A_15 = arith.constant 0 : i32
    %dma_start3A_16 = arith.constant 0 : i32
    %dma_start3A_17 = tpu.memref_slice %arg4[%dma_start3A_15, %dma_start3A_16] : memref<100000x128xf32, #tpu.memory_space<hbm>> -> memref<100000x128xf32, #tpu.memory_space<hbm>>
    tpu.enqueue_indirect_dma source(%dma_start3A_17 : memref<100000x128xf32, #tpu.memory_space<hbm>>) target(%arg11 : memref<128x128xf32, #tpu.memory_space<vmem>>) offsets(%dma_start3A_14 : memref<128xi32, #tpu.memory_space<vmem>>) semaphore(%arg16 : memref<!tpu.dma_semaphore, #tpu.memory_space<semaphore_mem>>)
    %dma_start3A_18 = arith.constant 2 : i32
    %dma_start3A_19 = arith.constant 0 : i32
    %dma_start3A_20 = tpu.memref_slice %arg8[%dma_start3A_18, %dma_start3A_19] : memref<200x128xi32, #tpu.memory_space<vmem>> -> memref<1x128xi32, #tpu.memory_space<vmem>>
    %dma_start3A_21 = tpu.memref_squeeze %dma_start3A_20 : memref<1x128xi32, #tpu.memory_space<vmem>> -> memref<128xi32, #tpu.memory_space<vmem>>
    %dma_start3A_22 = arith.constant 0 : i32
    %dma_start3A_23 = arith.constant 0 : i32
    %dma_start3A_24 = tpu.memref_slice %arg4[%dma_start3A_22, %dma_start3A_23] : memref<100000x128xf32, #tpu.memory_space<hbm>> -> memref<100000x128xf32, #tpu.memory_space<hbm>>
    tpu.enqueue_indirect_dma source(%dma_start3A_24 : memref<100000x128xf32, #tpu.memory_space<hbm>>) target(%arg12 : memref<128x128xf32, #tpu.memory_space<vmem>>) offsets(%dma_start3A_21 : memref<128xi32, #tpu.memory_space<vmem>>) semaphore(%arg17 : memref<!tpu.dma_semaphore, #tpu.memory_space<semaphore_mem>>)
    %scan3A = arith.constant 0 : i32
    %scan3A_25 = arith.constant 0 : i32
    %scan3A_26 = arith.constant 40 : i32
    %scan3A_27 = arith.addi %scan3A_25, %scan3A_26 : i32
    %scan3A_28 = arith.constant 1 : i32
    scf.for %scan3A_116 = %scan3A_25 to %scan3A_27 step %scan3A_28  : i32 {
      %mul3A_117 = arith.constant 5 : i32
      %mul3A_118 = arith.muli %scan3A_116, %mul3A_117 : i32
      %add3A_119 = arith.constant 0 : i32
      %add3A_120 = arith.addi %mul3A_118, %add3A_119 : i32
      %add3A_121 = arith.constant 3 : i32
      %add3A_122 = arith.addi %add3A_120, %add3A_121 : i32
      %ge3A = arith.constant 2 : i32
      %ge3A_123 = arith.cmpi sge, %add3A_120, %ge3A : i32
      %lt3A = arith.constant 200 : i32
      %lt3A_124 = arith.cmpi slt, %add3A_122, %lt3A : i32
      %and3A = arith.andi %ge3A_123, %lt3A_124 : i1
      %convert_element_type3A_125 = arith.extui %and3A : i1 to i32
      %cond3A_126 = arith.constant 0 : i32
      %cond3A_127 = arith.cmpi ne, %convert_element_type3A_125, %cond3A_126 : i32
      scf.if %cond3A_127 {
        %dma_wait3A_274 = arith.constant 0 : i32
        %dma_wait3A_275 = arith.constant 0 : i32
        %dma_wait3A_276 = tpu.memref_slice %arg6[%dma_wait3A_274, %dma_wait3A_275] : memref<819200x128xf32, #tpu.memory_space<hbm>> -> memref<128x128xf32, #tpu.memory_space<hbm>>
        %dma_wait3A_277 = arith.constant 0 : i32
        %dma_wait3A_278 = arith.constant 0 : i32
        %dma_wait3A_279 = tpu.memref_slice %arg6[%dma_wait3A_277, %dma_wait3A_278] : memref<819200x128xf32, #tpu.memory_space<hbm>> -> memref<128x128xf32, #tpu.memory_space<hbm>>
        tpu.wait_dma2 semaphore(%arg23 : memref<!tpu.dma_semaphore, #tpu.memory_space<semaphore_mem>>) src(%arg13 : memref<128x128xf32, #tpu.memory_space<vmem>>) dst(%dma_wait3A_279 : memref<128x128xf32, #tpu.memory_space<hbm>>)
      } else {
      }
      %lt3A_128 = arith.constant 200 : i32
      %lt3A_129 = arith.cmpi slt, %add3A_122, %lt3A_128 : i32
      %convert_element_type3A_130 = arith.extui %lt3A_129 : i1 to i32
      %cond3A_131 = arith.constant 0 : i32
      %cond3A_132 = arith.cmpi ne, %convert_element_type3A_130, %cond3A_131 : i32
      scf.if %cond3A_132 {
        %dma_start3A_274 = arith.constant 0 : i32
        %dma_start3A_275 = tpu.memref_slice %arg8[%add3A_122, %dma_start3A_274] : memref<200x128xi32, #tpu.memory_space<vmem>> -> memref<1x128xi32, #tpu.memory_space<vmem>>
        %dma_start3A_276 = tpu.memref_squeeze %dma_start3A_275 : memref<1x128xi32, #tpu.memory_space<vmem>> -> memref<128xi32, #tpu.memory_space<vmem>>
        %dma_start3A_277 = arith.constant 0 : i32
        %dma_start3A_278 = arith.constant 0 : i32
        %dma_start3A_279 = tpu.memref_slice %arg4[%dma_start3A_277, %dma_start3A_278] : memref<100000x128xf32, #tpu.memory_space<hbm>> -> memref<100000x128xf32, #tpu.memory_space<hbm>>
        tpu.enqueue_indirect_dma source(%dma_start3A_279 : memref<100000x128xf32, #tpu.memory_space<hbm>>) target(%arg13 : memref<128x128xf32, #tpu.memory_space<vmem>>) offsets(%dma_start3A_276 : memref<128xi32, #tpu.memory_space<vmem>>) semaphore(%arg18 : memref<!tpu.dma_semaphore, #tpu.memory_space<semaphore_mem>>)
      } else {
      }
      %dma_wait3A_133 = arith.constant 0 : i32
      %dma_wait3A_134 = tpu.memref_slice %arg8[%add3A_120, %dma_wait3A_133] : memref<200x128xi32, #tpu.memory_space<vmem>> -> memref<1x128xi32, #tpu.memory_space<vmem>>
      %dma_wait3A_135 = tpu.memref_squeeze %dma_wait3A_134 : memref<1x128xi32, #tpu.memory_space<vmem>> -> memref<128xi32, #tpu.memory_space<vmem>>
      %dma_wait3A_136 = arith.constant 0 : i32
      %dma_wait3A_137 = arith.constant 0 : i32
      %dma_wait3A_138 = tpu.memref_slice %arg4[%dma_wait3A_136, %dma_wait3A_137] : memref<100000x128xf32, #tpu.memory_space<hbm>> -> memref<100000x128xf32, #tpu.memory_space<hbm>>
      tpu.wait_indirect_dma semaphore(%arg15 : memref<!tpu.dma_semaphore, #tpu.memory_space<semaphore_mem>>) src(%dma_wait3A_138 : memref<100000x128xf32, #tpu.memory_space<hbm>>) dst(%arg10 : memref<128x128xf32, #tpu.memory_space<vmem>>)
      %mul3A_139 = arith.constant 128 : i32
      %mul3A_140 = arith.muli %add3A_120, %mul3A_139 : i32
      %add3A_141 = arith.addi %mul3A_2, %mul3A_140 : i32
      %dma_start3A_142 = arith.constant 0 : i32
      %dma_start3A_143 = tpu.memref_slice %arg6[%add3A_141, %dma_start3A_142] : memref<819200x128xf32, #tpu.memory_space<hbm>> -> memref<128x128xf32, #tpu.memory_space<hbm>>
      %dma_start3A_144 = arith.constant 0 : i32
      %dma_start3A_145 = tpu.memref_slice %arg6[%add3A_141, %dma_start3A_144] : memref<819200x128xf32, #tpu.memory_space<hbm>> -> memref<128x128xf32, #tpu.memory_space<hbm>>
      tpu.enqueue_dma source(%arg10 : memref<128x128xf32, #tpu.memory_space<vmem>>) target(%dma_start3A_145 : memref<128x128xf32, #tpu.memory_space<hbm>>) target_semaphore(%arg20 : memref<!tpu.dma_semaphore, #tpu.memory_space<semaphore_mem>>)
      %mul3A_146 = arith.constant 5 : i32
      %mul3A_147 = arith.muli %scan3A_116, %mul3A_146 : i32
      %add3A_148 = arith.constant 1 : i32
      %add3A_149 = arith.addi %mul3A_147, %add3A_148 : i32
      %add3A_150 = arith.constant 3 : i32
      %add3A_151 = arith.addi %add3A_149, %add3A_150 : i32
      %ge3A_152 = arith.constant 2 : i32
      %ge3A_153 = arith.cmpi sge, %add3A_149, %ge3A_152 : i32
      %lt3A_154 = arith.constant 200 : i32
      %lt3A_155 = arith.cmpi slt, %add3A_151, %lt3A_154 : i32
      %and3A_156 = arith.andi %ge3A_153, %lt3A_155 : i1
      %convert_element_type3A_157 = arith.extui %and3A_156 : i1 to i32
      %cond3A_158 = arith.constant 0 : i32
      %cond3A_159 = arith.cmpi ne, %convert_element_type3A_157, %cond3A_158 : i32
      scf.if %cond3A_159 {
        %dma_wait3A_274 = arith.constant 0 : i32
        %dma_wait3A_275 = arith.constant 0 : i32
        %dma_wait3A_276 = tpu.memref_slice %arg6[%dma_wait3A_274, %dma_wait3A_275] : memref<819200x128xf32, #tpu.memory_space<hbm>> -> memref<128x128xf32, #tpu.memory_space<hbm>>
        %dma_wait3A_277 = arith.constant 0 : i32
        %dma_wait3A_278 = arith.constant 0 : i32
        %dma_wait3A_279 = tpu.memref_slice %arg6[%dma_wait3A_277, %dma_wait3A_278] : memref<819200x128xf32, #tpu.memory_space<hbm>> -> memref<128x128xf32, #tpu.memory_space<hbm>>
        tpu.wait_dma2 semaphore(%arg24 : memref<!tpu.dma_semaphore, #tpu.memory_space<semaphore_mem>>) src(%arg14 : memref<128x128xf32, #tpu.memory_space<vmem>>) dst(%dma_wait3A_279 : memref<128x128xf32, #tpu.memory_space<hbm>>)
      } else {
      }
      %lt3A_160 = arith.constant 200 : i32
      %lt3A_161 = arith.cmpi slt, %add3A_151, %lt3A_160 : i32
      %convert_element_type3A_162 = arith.extui %lt3A_161 : i1 to i32
      %cond3A_163 = arith.constant 0 : i32
      %cond3A_164 = arith.cmpi ne, %convert_element_type3A_162, %cond3A_163 : i32
      scf.if %cond3A_164 {
        %dma_start3A_274 = arith.constant 0 : i32
        %dma_start3A_275 = tpu.memref_slice %arg8[%add3A_151, %dma_start3A_274] : memref<200x128xi32, #tpu.memory_space<vmem>> -> memref<1x128xi32, #tpu.memory_space<vmem>>
        %dma_start3A_276 = tpu.memref_squeeze %dma_start3A_275 : memref<1x128xi32, #tpu.memory_space<vmem>> -> memref<128xi32, #tpu.memory_space<vmem>>
        %dma_start3A_277 = arith.constant 0 : i32
        %dma_start3A_278 = arith.constant 0 : i32
        %dma_start3A_279 = tpu.memref_slice %arg4[%dma_start3A_277, %dma_start3A_278] : memref<100000x128xf32, #tpu.memory_space<hbm>> -> memref<100000x128xf32, #tpu.memory_space<hbm>>
        tpu.enqueue_indirect_dma source(%dma_start3A_279 : memref<100000x128xf32, #tpu.memory_space<hbm>>) target(%arg14 : memref<128x128xf32, #tpu.memory_space<vmem>>) offsets(%dma_start3A_276 : memref<128xi32, #tpu.memory_space<vmem>>) semaphore(%arg19 : memref<!tpu.dma_semaphore, #tpu.memory_space<semaphore_mem>>)
      } else {
      }
      %dma_wait3A_165 = arith.constant 0 : i32
      %dma_wait3A_166 = tpu.memref_slice %arg8[%add3A_149, %dma_wait3A_165] : memref<200x128xi32, #tpu.memory_space<vmem>> -> memref<1x128xi32, #tpu.memory_space<vmem>>
      %dma_wait3A_167 = tpu.memref_squeeze %dma_wait3A_166 : memref<1x128xi32, #tpu.memory_space<vmem>> -> memref<128xi32, #tpu.memory_space<vmem>>
      %dma_wait3A_168 = arith.constant 0 : i32
      %dma_wait3A_169 = arith.constant 0 : i32
      %dma_wait3A_170 = tpu.memref_slice %arg4[%dma_wait3A_168, %dma_wait3A_169] : memref<100000x128xf32, #tpu.memory_space<hbm>> -> memref<100000x128xf32, #tpu.memory_space<hbm>>
      tpu.wait_indirect_dma semaphore(%arg16 : memref<!tpu.dma_semaphore, #tpu.memory_space<semaphore_mem>>) src(%dma_wait3A_170 : memref<100000x128xf32, #tpu.memory_space<hbm>>) dst(%arg11 : memref<128x128xf32, #tpu.memory_space<vmem>>)
      %mul3A_171 = arith.constant 128 : i32
      %mul3A_172 = arith.muli %add3A_149, %mul3A_171 : i32
      %add3A_173 = arith.addi %mul3A_2, %mul3A_172 : i32
      %dma_start3A_174 = arith.constant 0 : i32
      %dma_start3A_175 = tpu.memref_slice %arg6[%add3A_173, %dma_start3A_174] : memref<819200x128xf32, #tpu.memory_space<hbm>> -> memref<128x128xf32, #tpu.memory_space<hbm>>
      %dma_start3A_176 = arith.constant 0 : i32
      %dma_start3A_177 = tpu.memref_slice %arg6[%add3A_173, %dma_start3A_176] : memref<819200x128xf32, #tpu.memory_space<hbm>> -> memref<128x128xf32, #tpu.memory_space<hbm>>
      tpu.enqueue_dma source(%arg11 : memref<128x128xf32, #tpu.memory_space<vmem>>) target(%dma_start3A_177 : memref<128x128xf32, #tpu.memory_space<hbm>>) target_semaphore(%arg21 : memref<!tpu.dma_semaphore, #tpu.memory_space<semaphore_mem>>)
      %mul3A_178 = arith.constant 5 : i32
      %mul3A_179 = arith.muli %scan3A_116, %mul3A_178 : i32
      %add3A_180 = arith.constant 2 : i32
      %add3A_181 = arith.addi %mul3A_179, %add3A_180 : i32
      %add3A_182 = arith.constant 3 : i32
      %add3A_183 = arith.addi %add3A_181, %add3A_182 : i32
      %ge3A_184 = arith.constant 2 : i32
      %ge3A_185 = arith.cmpi sge, %add3A_181, %ge3A_184 : i32
      %lt3A_186 = arith.constant 200 : i32
      %lt3A_187 = arith.cmpi slt, %add3A_183, %lt3A_186 : i32
      %and3A_188 = arith.andi %ge3A_185, %lt3A_187 : i1
      %convert_element_type3A_189 = arith.extui %and3A_188 : i1 to i32
      %cond3A_190 = arith.constant 0 : i32
      %cond3A_191 = arith.cmpi ne, %convert_element_type3A_189, %cond3A_190 : i32
      scf.if %cond3A_191 {
        %dma_wait3A_274 = arith.constant 0 : i32
        %dma_wait3A_275 = arith.constant 0 : i32
        %dma_wait3A_276 = tpu.memref_slice %arg6[%dma_wait3A_274, %dma_wait3A_275] : memref<819200x128xf32, #tpu.memory_space<hbm>> -> memref<128x128xf32, #tpu.memory_space<hbm>>
        %dma_wait3A_277 = arith.constant 0 : i32
        %dma_wait3A_278 = arith.constant 0 : i32
        %dma_wait3A_279 = tpu.memref_slice %arg6[%dma_wait3A_277, %dma_wait3A_278] : memref<819200x128xf32, #tpu.memory_space<hbm>> -> memref<128x128xf32, #tpu.memory_space<hbm>>
        tpu.wait_dma2 semaphore(%arg20 : memref<!tpu.dma_semaphore, #tpu.memory_space<semaphore_mem>>) src(%arg10 : memref<128x128xf32, #tpu.memory_space<vmem>>) dst(%dma_wait3A_279 : memref<128x128xf32, #tpu.memory_space<hbm>>)
      } else {
      }
      %lt3A_192 = arith.constant 200 : i32
      %lt3A_193 = arith.cmpi slt, %add3A_183, %lt3A_192 : i32
      %convert_element_type3A_194 = arith.extui %lt3A_193 : i1 to i32
      %cond3A_195 = arith.constant 0 : i32
      %cond3A_196 = arith.cmpi ne, %convert_element_type3A_194, %cond3A_195 : i32
      scf.if %cond3A_196 {
        %dma_start3A_274 = arith.constant 0 : i32
        %dma_start3A_275 = tpu.memref_slice %arg8[%add3A_183, %dma_start3A_274] : memref<200x128xi32, #tpu.memory_space<vmem>> -> memref<1x128xi32, #tpu.memory_space<vmem>>
        %dma_start3A_276 = tpu.memref_squeeze %dma_start3A_275 : memref<1x128xi32, #tpu.memory_space<vmem>> -> memref<128xi32, #tpu.memory_space<vmem>>
        %dma_start3A_277 = arith.constant 0 : i32
        %dma_start3A_278 = arith.constant 0 : i32
        %dma_start3A_279 = tpu.memref_slice %arg4[%dma_start3A_277, %dma_start3A_278] : memref<100000x128xf32, #tpu.memory_space<hbm>> -> memref<100000x128xf32, #tpu.memory_space<hbm>>
        tpu.enqueue_indirect_dma source(%dma_start3A_279 : memref<100000x128xf32, #tpu.memory_space<hbm>>) target(%arg10 : memref<128x128xf32, #tpu.memory_space<vmem>>) offsets(%dma_start3A_276 : memref<128xi32, #tpu.memory_space<vmem>>) semaphore(%arg15 : memref<!tpu.dma_semaphore, #tpu.memory_space<semaphore_mem>>)
      } else {
      }
      %dma_wait3A_197 = arith.constant 0 : i32
      %dma_wait3A_198 = tpu.memref_slice %arg8[%add3A_181, %dma_wait3A_197] : memref<200x128xi32, #tpu.memory_space<vmem>> -> memref<1x128xi32, #tpu.memory_space<vmem>>
      %dma_wait3A_199 = tpu.memref_squeeze %dma_wait3A_198 : memref<1x128xi32, #tpu.memory_space<vmem>> -> memref<128xi32, #tpu.memory_space<vmem>>
      %dma_wait3A_200 = arith.constant 0 : i32
      %dma_wait3A_201 = arith.constant 0 : i32
      %dma_wait3A_202 = tpu.memref_slice %arg4[%dma_wait3A_200, %dma_wait3A_201] : memref<100000x128xf32, #tpu.memory_space<hbm>> -> memref<100000x128xf32, #tpu.memory_space<hbm>>
      tpu.wait_indirect_dma semaphore(%arg17 : memref<!tpu.dma_semaphore, #tpu.memory_space<semaphore_mem>>) src(%dma_wait3A_202 : memref<100000x128xf32, #tpu.memory_space<hbm>>) dst(%arg12 : memref<128x128xf32, #tpu.memory_space<vmem>>)
      %mul3A_203 = arith.constant 128 : i32
      %mul3A_204 = arith.muli %add3A_181, %mul3A_203 : i32
      %add3A_205 = arith.addi %mul3A_2, %mul3A_204 : i32
      %dma_start3A_206 = arith.constant 0 : i32
      %dma_start3A_207 = tpu.memref_slice %arg6[%add3A_205, %dma_start3A_206] : memref<819200x128xf32, #tpu.memory_space<hbm>> -> memref<128x128xf32, #tpu.memory_space<hbm>>
      %dma_start3A_208 = arith.constant 0 : i32
      %dma_start3A_209 = tpu.memref_slice %arg6[%add3A_205, %dma_start3A_208] : memref<819200x128xf32, #tpu.memory_space<hbm>> -> memref<128x128xf32, #tpu.memory_space<hbm>>
      tpu.enqueue_dma source(%arg12 : memref<128x128xf32, #tpu.memory_space<vmem>>) target(%dma_start3A_209 : memref<128x128xf32, #tpu.memory_space<hbm>>) target_semaphore(%arg22 : memref<!tpu.dma_semaphore, #tpu.memory_space<semaphore_mem>>)
      %mul3A_210 = arith.constant 5 : i32
      %mul3A_211 = arith.muli %scan3A_116, %mul3A_210 : i32
      %add3A_212 = arith.constant 3 : i32
      %add3A_213 = arith.addi %mul3A_211, %add3A_212 : i32
      %add3A_214 = arith.constant 3 : i32
      %add3A_215 = arith.addi %add3A_213, %add3A_214 : i32
      %ge3A_216 = arith.constant 2 : i32
      %ge3A_217 = arith.cmpi sge, %add3A_213, %ge3A_216 : i32
      %lt3A_218 = arith.constant 200 : i32
      %lt3A_219 = arith.cmpi slt, %add3A_215, %lt3A_218 : i32
      %and3A_220 = arith.andi %ge3A_217, %lt3A_219 : i1
      %convert_element_type3A_221 = arith.extui %and3A_220 : i1 to i32
      %cond3A_222 = arith.constant 0 : i32
      %cond3A_223 = arith.cmpi ne, %convert_element_type3A_221, %cond3A_222 : i32
      scf.if %cond3A_223 {
        %dma_wait3A_274 = arith.constant 0 : i32
        %dma_wait3A_275 = arith.constant 0 : i32
        %dma_wait3A_276 = tpu.memref_slice %arg6[%dma_wait3A_274, %dma_wait3A_275] : memref<819200x128xf32, #tpu.memory_space<hbm>> -> memref<128x128xf32, #tpu.memory_space<hbm>>
        %dma_wait3A_277 = arith.constant 0 : i32
        %dma_wait3A_278 = arith.constant 0 : i32
        %dma_wait3A_279 = tpu.memref_slice %arg6[%dma_wait3A_277, %dma_wait3A_278] : memref<819200x128xf32, #tpu.memory_space<hbm>> -> memref<128x128xf32, #tpu.memory_space<hbm>>
        tpu.wait_dma2 semaphore(%arg21 : memref<!tpu.dma_semaphore, #tpu.memory_space<semaphore_mem>>) src(%arg11 : memref<128x128xf32, #tpu.memory_space<vmem>>) dst(%dma_wait3A_279 : memref<128x128xf32, #tpu.memory_space<hbm>>)
      } else {
      }
      %lt3A_224 = arith.constant 200 : i32
      %lt3A_225 = arith.cmpi slt, %add3A_215, %lt3A_224 : i32
      %convert_element_type3A_226 = arith.extui %lt3A_225 : i1 to i32
      %cond3A_227 = arith.constant 0 : i32
      %cond3A_228 = arith.cmpi ne, %convert_element_type3A_226, %cond3A_227 : i32
      scf.if %cond3A_228 {
        %dma_start3A_274 = arith.constant 0 : i32
        %dma_start3A_275 = tpu.memref_slice %arg8[%add3A_215, %dma_start3A_274] : memref<200x128xi32, #tpu.memory_space<vmem>> -> memref<1x128xi32, #tpu.memory_space<vmem>>
        %dma_start3A_276 = tpu.memref_squeeze %dma_start3A_275 : memref<1x128xi32, #tpu.memory_space<vmem>> -> memref<128xi32, #tpu.memory_space<vmem>>
        %dma_start3A_277 = arith.constant 0 : i32
        %dma_start3A_278 = arith.constant 0 : i32
        %dma_start3A_279 = tpu.memref_slice %arg4[%dma_start3A_277, %dma_start3A_278] : memref<100000x128xf32, #tpu.memory_space<hbm>> -> memref<100000x128xf32, #tpu.memory_space<hbm>>
        tpu.enqueue_indirect_dma source(%dma_start3A_279 : memref<100000x128xf32, #tpu.memory_space<hbm>>) target(%arg11 : memref<128x128xf32, #tpu.memory_space<vmem>>) offsets(%dma_start3A_276 : memref<128xi32, #tpu.memory_space<vmem>>) semaphore(%arg16 : memref<!tpu.dma_semaphore, #tpu.memory_space<semaphore_mem>>)
      } else {
      }
      %dma_wait3A_229 = arith.constant 0 : i32
      %dma_wait3A_230 = tpu.memref_slice %arg8[%add3A_213, %dma_wait3A_229] : memref<200x128xi32, #tpu.memory_space<vmem>> -> memref<1x128xi32, #tpu.memory_space<vmem>>
      %dma_wait3A_231 = tpu.memref_squeeze %dma_wait3A_230 : memref<1x128xi32, #tpu.memory_space<vmem>> -> memref<128xi32, #tpu.memory_space<vmem>>
      %dma_wait3A_232 = arith.constant 0 : i32
      %dma_wait3A_233 = arith.constant 0 : i32
      %dma_wait3A_234 = tpu.memref_slice %arg4[%dma_wait3A_232, %dma_wait3A_233] : memref<100000x128xf32, #tpu.memory_space<hbm>> -> memref<100000x128xf32, #tpu.memory_space<hbm>>
      tpu.wait_indirect_dma semaphore(%arg18 : memref<!tpu.dma_semaphore, #tpu.memory_space<semaphore_mem>>) src(%dma_wait3A_234 : memref<100000x128xf32, #tpu.memory_space<hbm>>) dst(%arg13 : memref<128x128xf32, #tpu.memory_space<vmem>>)
      %mul3A_235 = arith.constant 128 : i32
      %mul3A_236 = arith.muli %add3A_213, %mul3A_235 : i32
      %add3A_237 = arith.addi %mul3A_2, %mul3A_236 : i32
      %dma_start3A_238 = arith.constant 0 : i32
      %dma_start3A_239 = tpu.memref_slice %arg6[%add3A_237, %dma_start3A_238] : memref<819200x128xf32, #tpu.memory_space<hbm>> -> memref<128x128xf32, #tpu.memory_space<hbm>>
      %dma_start3A_240 = arith.constant 0 : i32
      %dma_start3A_241 = tpu.memref_slice %arg6[%add3A_237, %dma_start3A_240] : memref<819200x128xf32, #tpu.memory_space<hbm>> -> memref<128x128xf32, #tpu.memory_space<hbm>>
      tpu.enqueue_dma source(%arg13 : memref<128x128xf32, #tpu.memory_space<vmem>>) target(%dma_start3A_241 : memref<128x128xf32, #tpu.memory_space<hbm>>) target_semaphore(%arg23 : memref<!tpu.dma_semaphore, #tpu.memory_space<semaphore_mem>>)
      %mul3A_242 = arith.constant 5 : i32
      %mul3A_243 = arith.muli %scan3A_116, %mul3A_242 : i32
      %add3A_244 = arith.constant 4 : i32
      %add3A_245 = arith.addi %mul3A_243, %add3A_244 : i32
      %add3A_246 = arith.constant 3 : i32
      %add3A_247 = arith.addi %add3A_245, %add3A_246 : i32
      %ge3A_248 = arith.constant 2 : i32
      %ge3A_249 = arith.cmpi sge, %add3A_245, %ge3A_248 : i32
      %lt3A_250 = arith.constant 200 : i32
      %lt3A_251 = arith.cmpi slt, %add3A_247, %lt3A_250 : i32
      %and3A_252 = arith.andi %ge3A_249, %lt3A_251 : i1
      %convert_element_type3A_253 = arith.extui %and3A_252 : i1 to i32
      %cond3A_254 = arith.constant 0 : i32
      %cond3A_255 = arith.cmpi ne, %convert_element_type3A_253, %cond3A_254 : i32
      scf.if %cond3A_255 {
        %dma_wait3A_274 = arith.constant 0 : i32
        %dma_wait3A_275 = arith.constant 0 : i32
        %dma_wait3A_276 = tpu.memref_slice %arg6[%dma_wait3A_274, %dma_wait3A_275] : memref<819200x128xf32, #tpu.memory_space<hbm>> -> memref<128x128xf32, #tpu.memory_space<hbm>>
        %dma_wait3A_277 = arith.constant 0 : i32
        %dma_wait3A_278 = arith.constant 0 : i32
        %dma_wait3A_279 = tpu.memref_slice %arg6[%dma_wait3A_277, %dma_wait3A_278] : memref<819200x128xf32, #tpu.memory_space<hbm>> -> memref<128x128xf32, #tpu.memory_space<hbm>>
        tpu.wait_dma2 semaphore(%arg22 : memref<!tpu.dma_semaphore, #tpu.memory_space<semaphore_mem>>) src(%arg12 : memref<128x128xf32, #tpu.memory_space<vmem>>) dst(%dma_wait3A_279 : memref<128x128xf32, #tpu.memory_space<hbm>>)
      } else {
      }
      %lt3A_256 = arith.constant 200 : i32
      %lt3A_257 = arith.cmpi slt, %add3A_247, %lt3A_256 : i32
      %convert_element_type3A_258 = arith.extui %lt3A_257 : i1 to i32
      %cond3A_259 = arith.constant 0 : i32
      %cond3A_260 = arith.cmpi ne, %convert_element_type3A_258, %cond3A_259 : i32
      scf.if %cond3A_260 {
        %dma_start3A_274 = arith.constant 0 : i32
        %dma_start3A_275 = tpu.memref_slice %arg8[%add3A_247, %dma_start3A_274] : memref<200x128xi32, #tpu.memory_space<vmem>> -> memref<1x128xi32, #tpu.memory_space<vmem>>
        %dma_start3A_276 = tpu.memref_squeeze %dma_start3A_275 : memref<1x128xi32, #tpu.memory_space<vmem>> -> memref<128xi32, #tpu.memory_space<vmem>>
        %dma_start3A_277 = arith.constant 0 : i32
        %dma_start3A_278 = arith.constant 0 : i32
        %dma_start3A_279 = tpu.memref_slice %arg4[%dma_start3A_277, %dma_start3A_278] : memref<100000x128xf32, #tpu.memory_space<hbm>> -> memref<100000x128xf32, #tpu.memory_space<hbm>>
        tpu.enqueue_indirect_dma source(%dma_start3A_279 : memref<100000x128xf32, #tpu.memory_space<hbm>>) target(%arg12 : memref<128x128xf32, #tpu.memory_space<vmem>>) offsets(%dma_start3A_276 : memref<128xi32, #tpu.memory_space<vmem>>) semaphore(%arg17 : memref<!tpu.dma_semaphore, #tpu.memory_space<semaphore_mem>>)
      } else {
      }
      %dma_wait3A_261 = arith.constant 0 : i32
      %dma_wait3A_262 = tpu.memref_slice %arg8[%add3A_245, %dma_wait3A_261] : memref<200x128xi32, #tpu.memory_space<vmem>> -> memref<1x128xi32, #tpu.memory_space<vmem>>
      %dma_wait3A_263 = tpu.memref_squeeze %dma_wait3A_262 : memref<1x128xi32, #tpu.memory_space<vmem>> -> memref<128xi32, #tpu.memory_space<vmem>>
      %dma_wait3A_264 = arith.constant 0 : i32
      %dma_wait3A_265 = arith.constant 0 : i32
      %dma_wait3A_266 = tpu.memref_slice %arg4[%dma_wait3A_264, %dma_wait3A_265] : memref<100000x128xf32, #tpu.memory_space<hbm>> -> memref<100000x128xf32, #tpu.memory_space<hbm>>
      tpu.wait_indirect_dma semaphore(%arg19 : memref<!tpu.dma_semaphore, #tpu.memory_space<semaphore_mem>>) src(%dma_wait3A_266 : memref<100000x128xf32, #tpu.memory_space<hbm>>) dst(%arg14 : memref<128x128xf32, #tpu.memory_space<vmem>>)
      %mul3A_267 = arith.constant 128 : i32
      %mul3A_268 = arith.muli %add3A_245, %mul3A_267 : i32
      %add3A_269 = arith.addi %mul3A_2, %mul3A_268 : i32
      %dma_start3A_270 = arith.constant 0 : i32
      %dma_start3A_271 = tpu.memref_slice %arg6[%add3A_269, %dma_start3A_270] : memref<819200x128xf32, #tpu.memory_space<hbm>> -> memref<128x128xf32, #tpu.memory_space<hbm>>
      %dma_start3A_272 = arith.constant 0 : i32
      %dma_start3A_273 = tpu.memref_slice %arg6[%add3A_269, %dma_start3A_272] : memref<819200x128xf32, #tpu.memory_space<hbm>> -> memref<128x128xf32, #tpu.memory_space<hbm>>
      tpu.enqueue_dma source(%arg14 : memref<128x128xf32, #tpu.memory_space<vmem>>) target(%dma_start3A_273 : memref<128x128xf32, #tpu.memory_space<hbm>>) target_semaphore(%arg24 : memref<!tpu.dma_semaphore, #tpu.memory_space<semaphore_mem>>)
    }
    %scan3A_29 = arith.constant 40 : i32
    %dma_wait3A = arith.constant 0 : i32
    %dma_wait3A_30 = arith.constant 0 : i32
    %dma_wait3A_31 = tpu.memref_slice %arg6[%dma_wait3A, %dma_wait3A_30] : memref<819200x128xf32, #tpu.memory_space<hbm>> -> memref<128x128xf32, #tpu.memory_space<hbm>>
    %dma_wait3A_32 = arith.constant 0 : i32
    %dma_wait3A_33 = arith.constant 0 : i32
    %dma_wait3A_34 = tpu.memref_slice %arg6[%dma_wait3A_32, %dma_wait3A_33] : memref<819200x128xf32, #tpu.memory_space<hbm>> -> memref<128x128xf32, #tpu.memory_space<hbm>>
    tpu.wait_dma2 semaphore(%arg20 : memref<!tpu.dma_semaphore, #tpu.memory_space<semaphore_mem>>) src(%arg10 : memref<128x128xf32, #tpu.memory_space<vmem>>) dst(%dma_wait3A_34 : memref<128x128xf32, #tpu.memory_space<hbm>>)
    %dma_wait3A_35 = arith.constant 0 : i32
    %dma_wait3A_36 = arith.constant 0 : i32
    %dma_wait3A_37 = tpu.memref_slice %arg6[%dma_wait3A_35, %dma_wait3A_36] : memref<819200x128xf32, #tpu.memory_space<hbm>> -> memref<128x128xf32, #tpu.memory_space<hbm>>
    %dma_wait3A_38 = arith.constant 0 : i32
    %dma_wait3A_39 = arith.constant 0 : i32
    %dma_wait3A_40 = tpu.memref_slice %arg6[%dma_wait3A_38, %dma_wait3A_39] : memref<819200x128xf32, #tpu.memory_space<hbm>> -> memref<128x128xf32, #tpu.memory_space<hbm>>
    tpu.wait_dma2 semaphore(%arg21 : memref<!tpu.dma_semaphore, #tpu.memory_space<semaphore_mem>>) src(%arg11 : memref<128x128xf32, #tpu.memory_space<vmem>>) dst(%dma_wait3A_40 : memref<128x128xf32, #tpu.memory_space<hbm>>)
    %dma_wait3A_41 = arith.constant 0 : i32
    %dma_wait3A_42 = arith.constant 0 : i32
    %dma_wait3A_43 = tpu.memref_slice %arg6[%dma_wait3A_41, %dma_wait3A_42] : memref<819200x128xf32, #tpu.memory_space<hbm>> -> memref<128x128xf32, #tpu.memory_space<hbm>>
    %dma_wait3A_44 = arith.constant 0 : i32
    %dma_wait3A_45 = arith.constant 0 : i32
    %dma_wait3A_46 = tpu.memref_slice %arg6[%dma_wait3A_44, %dma_wait3A_45] : memref<819200x128xf32, #tpu.memory_space<hbm>> -> memref<128x128xf32, #tpu.memory_space<hbm>>
    tpu.wait_dma2 semaphore(%arg22 : memref<!tpu.dma_semaphore, #tpu.memory_space<semaphore_mem>>) src(%arg12 : memref<128x128xf32, #tpu.memory_space<vmem>>) dst(%dma_wait3A_46 : memref<128x128xf32, #tpu.memory_space<hbm>>)
    %dma_wait3A_47 = arith.constant 0 : i32
    %dma_wait3A_48 = arith.constant 0 : i32
    %dma_wait3A_49 = tpu.memref_slice %arg6[%dma_wait3A_47, %dma_wait3A_48] : memref<819200x128xf32, #tpu.memory_space<hbm>> -> memref<128x128xf32, #tpu.memory_space<hbm>>
    %dma_wait3A_50 = arith.constant 0 : i32
    %dma_wait3A_51 = arith.constant 0 : i32
    %dma_wait3A_52 = tpu.memref_slice %arg6[%dma_wait3A_50, %dma_wait3A_51] : memref<819200x128xf32, #tpu.memory_space<hbm>> -> memref<128x128xf32, #tpu.memory_space<hbm>>
    tpu.wait_dma2 semaphore(%arg23 : memref<!tpu.dma_semaphore, #tpu.memory_space<semaphore_mem>>) src(%arg13 : memref<128x128xf32, #tpu.memory_space<vmem>>) dst(%dma_wait3A_52 : memref<128x128xf32, #tpu.memory_space<hbm>>)
    %dma_wait3A_53 = arith.constant 0 : i32
    %dma_wait3A_54 = arith.constant 0 : i32
    %dma_wait3A_55 = tpu.memref_slice %arg6[%dma_wait3A_53, %dma_wait3A_54] : memref<819200x128xf32, #tpu.memory_space<hbm>> -> memref<128x128xf32, #tpu.memory_space<hbm>>
    %dma_wait3A_56 = arith.constant 0 : i32
    %dma_wait3A_57 = arith.constant 0 : i32
    %dma_wait3A_58 = tpu.memref_slice %arg6[%dma_wait3A_56, %dma_wait3A_57] : memref<819200x128xf32, #tpu.memory_space<hbm>> -> memref<128x128xf32, #tpu.memory_space<hbm>>
    tpu.wait_dma2 semaphore(%arg24 : memref<!tpu.dma_semaphore, #tpu.memory_space<semaphore_mem>>) src(%arg14 : memref<128x128xf32, #tpu.memory_space<vmem>>) dst(%dma_wait3A_58 : memref<128x128xf32, #tpu.memory_space<hbm>>)
    "tpu.region"() ({
      %run_scoped3A = tpu.sem_alloc : memref<!tpu.dma_semaphore, #tpu.memory_space<semaphore_mem>>
      %dma_start3A_116 = arith.constant 0 : i32
      %dma_start3A_117 = arith.constant 0 : i32
      %dma_start3A_118 = tpu.memref_slice %arg3[%add3A, %dma_start3A_116, %dma_start3A_117] : memref<32x200x128xi32, #tpu.memory_space<hbm>> -> memref<1x200x128xi32, #tpu.memory_space<hbm>>
      %dma_start3A_119 = tpu.memref_squeeze %dma_start3A_118 : memref<1x200x128xi32, #tpu.memory_space<hbm>> -> memref<200x128xi32, #tpu.memory_space<hbm>>
      %dma_start3A_120 = arith.constant 0 : i32
      %dma_start3A_121 = arith.constant 0 : i32
      %dma_start3A_122 = tpu.memref_slice %arg3[%add3A, %dma_start3A_120, %dma_start3A_121] : memref<32x200x128xi32, #tpu.memory_space<hbm>> -> memref<1x200x128xi32, #tpu.memory_space<hbm>>
      %dma_start3A_123 = tpu.memref_squeeze %dma_start3A_122 : memref<1x200x128xi32, #tpu.memory_space<hbm>> -> memref<200x128xi32, #tpu.memory_space<hbm>>
      tpu.enqueue_dma source(%dma_start3A_123 : memref<200x128xi32, #tpu.memory_space<hbm>>) target(%arg8 : memref<200x128xi32, #tpu.memory_space<vmem>>) target_semaphore(%run_scoped3A : memref<!tpu.dma_semaphore, #tpu.memory_space<semaphore_mem>>)
      %dma_wait3A_124 = arith.constant 0 : i32
      %dma_wait3A_125 = arith.constant 0 : i32
      %dma_wait3A_126 = tpu.memref_slice %arg3[%add3A, %dma_wait3A_124, %dma_wait3A_125] : memref<32x200x128xi32, #tpu.memory_space<hbm>> -> memref<1x200x128xi32, #tpu.memory_space<hbm>>
      %dma_wait3A_127 = tpu.memref_squeeze %dma_wait3A_126 : memref<1x200x128xi32, #tpu.memory_space<hbm>> -> memref<200x128xi32, #tpu.memory_space<hbm>>
      %dma_wait3A_128 = arith.constant 0 : i32
      %dma_wait3A_129 = arith.constant 0 : i32
      %dma_wait3A_130 = tpu.memref_slice %arg3[%add3A, %dma_wait3A_128, %dma_wait3A_129] : memref<32x200x128xi32, #tpu.memory_space<hbm>> -> memref<1x200x128xi32, #tpu.memory_space<hbm>>
      %dma_wait3A_131 = tpu.memref_squeeze %dma_wait3A_130 : memref<1x200x128xi32, #tpu.memory_space<hbm>> -> memref<200x128xi32, #tpu.memory_space<hbm>>
      tpu.wait_dma2 semaphore(%run_scoped3A : memref<!tpu.dma_semaphore, #tpu.memory_space<semaphore_mem>>) src(%dma_wait3A_131 : memref<200x128xi32, #tpu.memory_space<hbm>>) dst(%arg8 : memref<200x128xi32, #tpu.memory_space<vmem>>)
      tpu.yield
    }) : () -> ()
    %dma_start3A_59 = arith.constant 0 : i32
    %dma_start3A_60 = arith.constant 0 : i32
    %dma_start3A_61 = tpu.memref_slice %arg8[%dma_start3A_59, %dma_start3A_60] : memref<200x128xi32, #tpu.memory_space<vmem>> -> memref<1x128xi32, #tpu.memory_space<vmem>>
    %dma_start3A_62 = tpu.memref_squeeze %dma_start3A_61 : memref<1x128xi32, #tpu.memory_space<vmem>> -> memref<128xi32, #tpu.memory_space<vmem>>
    %dma_start3A_63 = arith.constant 0 : i32
    %dma_start3A_64 = arith.constant 0 : i32
    %dma_start3A_65 = tpu.memref_slice %arg9[%dma_start3A_63, %dma_start3A_64] : memref<1440x128xf32, #tpu.memory_space<vmem_shared>> -> memref<1440x128xf32, #tpu.memory_space<vmem_shared>>
    tpu.enqueue_indirect_dma source(%dma_start3A_65 : memref<1440x128xf32, #tpu.memory_space<vmem_shared>>) target(%arg10 : memref<128x128xf32, #tpu.memory_space<vmem>>) offsets(%dma_start3A_62 : memref<128xi32, #tpu.memory_space<vmem>>) semaphore(%arg15 : memref<!tpu.dma_semaphore, #tpu.memory_space<semaphore_mem>>)
    %dma_start3A_66 = arith.constant 1 : i32
    %dma_start3A_67 = arith.constant 0 : i32
    %dma_start3A_68 = tpu.memref_slice %arg8[%dma_start3A_66, %dma_start3A_67] : memref<200x128xi32, #tpu.memory_space<vmem>> -> memref<1x128xi32, #tpu.memory_space<vmem>>
    %dma_start3A_69 = tpu.memref_squeeze %dma_start3A_68 : memref<1x128xi32, #tpu.memory_space<vmem>> -> memref<128xi32, #tpu.memory_space<vmem>>
    %dma_start3A_70 = arith.constant 0 : i32
    %dma_start3A_71 = arith.constant 0 : i32
    %dma_start3A_72 = tpu.memref_slice %arg9[%dma_start3A_70, %dma_start3A_71] : memref<1440x128xf32, #tpu.memory_space<vmem_shared>> -> memref<1440x128xf32, #tpu.memory_space<vmem_shared>>
    tpu.enqueue_indirect_dma source(%dma_start3A_72 : memref<1440x128xf32, #tpu.memory_space<vmem_shared>>) target(%arg11 : memref<128x128xf32, #tpu.memory_space<vmem>>) offsets(%dma_start3A_69 : memref<128xi32, #tpu.memory_space<vmem>>) semaphore(%arg16 : memref<!tpu.dma_semaphore, #tpu.memory_space<semaphore_mem>>)
    %dma_start3A_73 = arith.constant 2 : i32
    %dma_start3A_74 = arith.constant 0 : i32
    %dma_start3A_75 = tpu.memref_slice %arg8[%dma_start3A_73, %dma_start3A_74] : memref<200x128xi32, #tpu.memory_space<vmem>> -> memref<1x128xi32, #tpu.memory_space<vmem>>
    %dma_start3A_76 = tpu.memref_squeeze %dma_start3A_75 : memref<1x128xi32, #tpu.memory_space<vmem>> -> memref<128xi32, #tpu.memory_space<vmem>>
    %dma_start3A_77 = arith.constant 0 : i32
    %dma_start3A_78 = arith.constant 0 : i32
    %dma_start3A_79 = tpu.memref_slice %arg9[%dma_start3A_77, %dma_start3A_78] : memref<1440x128xf32, #tpu.memory_space<vmem_shared>> -> memref<1440x128xf32, #tpu.memory_space<vmem_shared>>
    tpu.enqueue_indirect_dma source(%dma_start3A_79 : memref<1440x128xf32, #tpu.memory_space<vmem_shared>>) target(%arg12 : memref<128x128xf32, #tpu.memory_space<vmem>>) offsets(%dma_start3A_76 : memref<128xi32, #tpu.memory_space<vmem>>) semaphore(%arg17 : memref<!tpu.dma_semaphore, #tpu.memory_space<semaphore_mem>>)
    %scan3A_80 = arith.constant 0 : i32
    %scan3A_81 = arith.constant 0 : i32
    %scan3A_82 = arith.constant 40 : i32
    %scan3A_83 = arith.addi %scan3A_81, %scan3A_82 : i32
    %scan3A_84 = arith.constant 1 : i32
    scf.for %scan3A_116 = %scan3A_81 to %scan3A_83 step %scan3A_84  : i32 {
      %mul3A_117 = arith.constant 5 : i32
      %mul3A_118 = arith.muli %scan3A_116, %mul3A_117 : i32
      %add3A_119 = arith.constant 0 : i32
      %add3A_120 = arith.addi %mul3A_118, %add3A_119 : i32
      %add3A_121 = arith.constant 3 : i32
      %add3A_122 = arith.addi %add3A_120, %add3A_121 : i32
      %ge3A = arith.constant 2 : i32
      %ge3A_123 = arith.cmpi sge, %add3A_120, %ge3A : i32
      %lt3A = arith.constant 200 : i32
      %lt3A_124 = arith.cmpi slt, %add3A_122, %lt3A : i32
      %and3A = arith.andi %ge3A_123, %lt3A_124 : i1
      %convert_element_type3A_125 = arith.extui %and3A : i1 to i32
      %cond3A_126 = arith.constant 0 : i32
      %cond3A_127 = arith.cmpi ne, %convert_element_type3A_125, %cond3A_126 : i32
      scf.if %cond3A_127 {
        %dma_wait3A_274 = arith.constant 0 : i32
        %dma_wait3A_275 = arith.constant 0 : i32
        %dma_wait3A_276 = tpu.memref_slice %arg7[%dma_wait3A_274, %dma_wait3A_275] : memref<819200x128xf32, #tpu.memory_space<hbm>> -> memref<128x128xf32, #tpu.memory_space<hbm>>
        %dma_wait3A_277 = arith.constant 0 : i32
        %dma_wait3A_278 = arith.constant 0 : i32
        %dma_wait3A_279 = tpu.memref_slice %arg7[%dma_wait3A_277, %dma_wait3A_278] : memref<819200x128xf32, #tpu.memory_space<hbm>> -> memref<128x128xf32, #tpu.memory_space<hbm>>
        tpu.wait_dma2 semaphore(%arg23 : memref<!tpu.dma_semaphore, #tpu.memory_space<semaphore_mem>>) src(%arg13 : memref<128x128xf32, #tpu.memory_space<vmem>>) dst(%dma_wait3A_279 : memref<128x128xf32, #tpu.memory_space<hbm>>)
      } else {
      }
      %lt3A_128 = arith.constant 200 : i32
      %lt3A_129 = arith.cmpi slt, %add3A_122, %lt3A_128 : i32
      %convert_element_type3A_130 = arith.extui %lt3A_129 : i1 to i32
      %cond3A_131 = arith.constant 0 : i32
      %cond3A_132 = arith.cmpi ne, %convert_element_type3A_130, %cond3A_131 : i32
      scf.if %cond3A_132 {
        %dma_start3A_274 = arith.constant 0 : i32
        %dma_start3A_275 = tpu.memref_slice %arg8[%add3A_122, %dma_start3A_274] : memref<200x128xi32, #tpu.memory_space<vmem>> -> memref<1x128xi32, #tpu.memory_space<vmem>>
        %dma_start3A_276 = tpu.memref_squeeze %dma_start3A_275 : memref<1x128xi32, #tpu.memory_space<vmem>> -> memref<128xi32, #tpu.memory_space<vmem>>
        %dma_start3A_277 = arith.constant 0 : i32
        %dma_start3A_278 = arith.constant 0 : i32
        %dma_start3A_279 = tpu.memref_slice %arg9[%dma_start3A_277, %dma_start3A_278] : memref<1440x128xf32, #tpu.memory_space<vmem_shared>> -> memref<1440x128xf32, #tpu.memory_space<vmem_shared>>
        tpu.enqueue_indirect_dma source(%dma_start3A_279 : memref<1440x128xf32, #tpu.memory_space<vmem_shared>>) target(%arg13 : memref<128x128xf32, #tpu.memory_space<vmem>>) offsets(%dma_start3A_276 : memref<128xi32, #tpu.memory_space<vmem>>) semaphore(%arg18 : memref<!tpu.dma_semaphore, #tpu.memory_space<semaphore_mem>>)
      } else {
      }
      %dma_wait3A_133 = arith.constant 0 : i32
      %dma_wait3A_134 = tpu.memref_slice %arg8[%add3A_120, %dma_wait3A_133] : memref<200x128xi32, #tpu.memory_space<vmem>> -> memref<1x128xi32, #tpu.memory_space<vmem>>
      %dma_wait3A_135 = tpu.memref_squeeze %dma_wait3A_134 : memref<1x128xi32, #tpu.memory_space<vmem>> -> memref<128xi32, #tpu.memory_space<vmem>>
      %dma_wait3A_136 = arith.constant 0 : i32
      %dma_wait3A_137 = arith.constant 0 : i32
      %dma_wait3A_138 = tpu.memref_slice %arg9[%dma_wait3A_136, %dma_wait3A_137] : memref<1440x128xf32, #tpu.memory_space<vmem_shared>> -> memref<1440x128xf32, #tpu.memory_space<vmem_shared>>
      tpu.wait_indirect_dma semaphore(%arg15 : memref<!tpu.dma_semaphore, #tpu.memory_space<semaphore_mem>>) src(%dma_wait3A_138 : memref<1440x128xf32, #tpu.memory_space<vmem_shared>>) dst(%arg10 : memref<128x128xf32, #tpu.memory_space<vmem>>)
      %mul3A_139 = arith.constant 128 : i32
      %mul3A_140 = arith.muli %add3A_120, %mul3A_139 : i32
      %add3A_141 = arith.addi %mul3A_2, %mul3A_140 : i32
      %dma_start3A_142 = arith.constant 0 : i32
      %dma_start3A_143 = tpu.memref_slice %arg7[%add3A_141, %dma_start3A_142] : memref<819200x128xf32, #tpu.memory_space<hbm>> -> memref<128x128xf32, #tpu.memory_space<hbm>>
      %dma_start3A_144 = arith.constant 0 : i32
      %dma_start3A_145 = tpu.memref_slice %arg7[%add3A_141, %dma_start3A_144] : memref<819200x128xf32, #tpu.memory_space<hbm>> -> memref<128x128xf32, #tpu.memory_space<hbm>>
      tpu.enqueue_dma source(%arg10 : memref<128x128xf32, #tpu.memory_space<vmem>>) target(%dma_start3A_145 : memref<128x128xf32, #tpu.memory_space<hbm>>) target_semaphore(%arg20 : memref<!tpu.dma_semaphore, #tpu.memory_space<semaphore_mem>>)
      %mul3A_146 = arith.constant 5 : i32
      %mul3A_147 = arith.muli %scan3A_116, %mul3A_146 : i32
      %add3A_148 = arith.constant 1 : i32
      %add3A_149 = arith.addi %mul3A_147, %add3A_148 : i32
      %add3A_150 = arith.constant 3 : i32
      %add3A_151 = arith.addi %add3A_149, %add3A_150 : i32
      %ge3A_152 = arith.constant 2 : i32
      %ge3A_153 = arith.cmpi sge, %add3A_149, %ge3A_152 : i32
      %lt3A_154 = arith.constant 200 : i32
      %lt3A_155 = arith.cmpi slt, %add3A_151, %lt3A_154 : i32
      %and3A_156 = arith.andi %ge3A_153, %lt3A_155 : i1
      %convert_element_type3A_157 = arith.extui %and3A_156 : i1 to i32
      %cond3A_158 = arith.constant 0 : i32
      %cond3A_159 = arith.cmpi ne, %convert_element_type3A_157, %cond3A_158 : i32
      scf.if %cond3A_159 {
        %dma_wait3A_274 = arith.constant 0 : i32
        %dma_wait3A_275 = arith.constant 0 : i32
        %dma_wait3A_276 = tpu.memref_slice %arg7[%dma_wait3A_274, %dma_wait3A_275] : memref<819200x128xf32, #tpu.memory_space<hbm>> -> memref<128x128xf32, #tpu.memory_space<hbm>>
        %dma_wait3A_277 = arith.constant 0 : i32
        %dma_wait3A_278 = arith.constant 0 : i32
        %dma_wait3A_279 = tpu.memref_slice %arg7[%dma_wait3A_277, %dma_wait3A_278] : memref<819200x128xf32, #tpu.memory_space<hbm>> -> memref<128x128xf32, #tpu.memory_space<hbm>>
        tpu.wait_dma2 semaphore(%arg24 : memref<!tpu.dma_semaphore, #tpu.memory_space<semaphore_mem>>) src(%arg14 : memref<128x128xf32, #tpu.memory_space<vmem>>) dst(%dma_wait3A_279 : memref<128x128xf32, #tpu.memory_space<hbm>>)
      } else {
      }
      %lt3A_160 = arith.constant 200 : i32
      %lt3A_161 = arith.cmpi slt, %add3A_151, %lt3A_160 : i32
      %convert_element_type3A_162 = arith.extui %lt3A_161 : i1 to i32
      %cond3A_163 = arith.constant 0 : i32
      %cond3A_164 = arith.cmpi ne, %convert_element_type3A_162, %cond3A_163 : i32
      scf.if %cond3A_164 {
        %dma_start3A_274 = arith.constant 0 : i32
        %dma_start3A_275 = tpu.memref_slice %arg8[%add3A_151, %dma_start3A_274] : memref<200x128xi32, #tpu.memory_space<vmem>> -> memref<1x128xi32, #tpu.memory_space<vmem>>
        %dma_start3A_276 = tpu.memref_squeeze %dma_start3A_275 : memref<1x128xi32, #tpu.memory_space<vmem>> -> memref<128xi32, #tpu.memory_space<vmem>>
        %dma_start3A_277 = arith.constant 0 : i32
        %dma_start3A_278 = arith.constant 0 : i32
        %dma_start3A_279 = tpu.memref_slice %arg9[%dma_start3A_277, %dma_start3A_278] : memref<1440x128xf32, #tpu.memory_space<vmem_shared>> -> memref<1440x128xf32, #tpu.memory_space<vmem_shared>>
        tpu.enqueue_indirect_dma source(%dma_start3A_279 : memref<1440x128xf32, #tpu.memory_space<vmem_shared>>) target(%arg14 : memref<128x128xf32, #tpu.memory_space<vmem>>) offsets(%dma_start3A_276 : memref<128xi32, #tpu.memory_space<vmem>>) semaphore(%arg19 : memref<!tpu.dma_semaphore, #tpu.memory_space<semaphore_mem>>)
      } else {
      }
      %dma_wait3A_165 = arith.constant 0 : i32
      %dma_wait3A_166 = tpu.memref_slice %arg8[%add3A_149, %dma_wait3A_165] : memref<200x128xi32, #tpu.memory_space<vmem>> -> memref<1x128xi32, #tpu.memory_space<vmem>>
      %dma_wait3A_167 = tpu.memref_squeeze %dma_wait3A_166 : memref<1x128xi32, #tpu.memory_space<vmem>> -> memref<128xi32, #tpu.memory_space<vmem>>
      %dma_wait3A_168 = arith.constant 0 : i32
      %dma_wait3A_169 = arith.constant 0 : i32
      %dma_wait3A_170 = tpu.memref_slice %arg9[%dma_wait3A_168, %dma_wait3A_169] : memref<1440x128xf32, #tpu.memory_space<vmem_shared>> -> memref<1440x128xf32, #tpu.memory_space<vmem_shared>>
      tpu.wait_indirect_dma semaphore(%arg16 : memref<!tpu.dma_semaphore, #tpu.memory_space<semaphore_mem>>) src(%dma_wait3A_170 : memref<1440x128xf32, #tpu.memory_space<vmem_shared>>) dst(%arg11 : memref<128x128xf32, #tpu.memory_space<vmem>>)
      %mul3A_171 = arith.constant 128 : i32
      %mul3A_172 = arith.muli %add3A_149, %mul3A_171 : i32
      %add3A_173 = arith.addi %mul3A_2, %mul3A_172 : i32
      %dma_start3A_174 = arith.constant 0 : i32
      %dma_start3A_175 = tpu.memref_slice %arg7[%add3A_173, %dma_start3A_174] : memref<819200x128xf32, #tpu.memory_space<hbm>> -> memref<128x128xf32, #tpu.memory_space<hbm>>
      %dma_start3A_176 = arith.constant 0 : i32
      %dma_start3A_177 = tpu.memref_slice %arg7[%add3A_173, %dma_start3A_176] : memref<819200x128xf32, #tpu.memory_space<hbm>> -> memref<128x128xf32, #tpu.memory_space<hbm>>
      tpu.enqueue_dma source(%arg11 : memref<128x128xf32, #tpu.memory_space<vmem>>) target(%dma_start3A_177 : memref<128x128xf32, #tpu.memory_space<hbm>>) target_semaphore(%arg21 : memref<!tpu.dma_semaphore, #tpu.memory_space<semaphore_mem>>)
      %mul3A_178 = arith.constant 5 : i32
      %mul3A_179 = arith.muli %scan3A_116, %mul3A_178 : i32
      %add3A_180 = arith.constant 2 : i32
      %add3A_181 = arith.addi %mul3A_179, %add3A_180 : i32
      %add3A_182 = arith.constant 3 : i32
      %add3A_183 = arith.addi %add3A_181, %add3A_182 : i32
      %ge3A_184 = arith.constant 2 : i32
      %ge3A_185 = arith.cmpi sge, %add3A_181, %ge3A_184 : i32
      %lt3A_186 = arith.constant 200 : i32
      %lt3A_187 = arith.cmpi slt, %add3A_183, %lt3A_186 : i32
      %and3A_188 = arith.andi %ge3A_185, %lt3A_187 : i1
      %convert_element_type3A_189 = arith.extui %and3A_188 : i1 to i32
      %cond3A_190 = arith.constant 0 : i32
      %cond3A_191 = arith.cmpi ne, %convert_element_type3A_189, %cond3A_190 : i32
      scf.if %cond3A_191 {
        %dma_wait3A_274 = arith.constant 0 : i32
        %dma_wait3A_275 = arith.constant 0 : i32
        %dma_wait3A_276 = tpu.memref_slice %arg7[%dma_wait3A_274, %dma_wait3A_275] : memref<819200x128xf32, #tpu.memory_space<hbm>> -> memref<128x128xf32, #tpu.memory_space<hbm>>
        %dma_wait3A_277 = arith.constant 0 : i32
        %dma_wait3A_278 = arith.constant 0 : i32
        %dma_wait3A_279 = tpu.memref_slice %arg7[%dma_wait3A_277, %dma_wait3A_278] : memref<819200x128xf32, #tpu.memory_space<hbm>> -> memref<128x128xf32, #tpu.memory_space<hbm>>
        tpu.wait_dma2 semaphore(%arg20 : memref<!tpu.dma_semaphore, #tpu.memory_space<semaphore_mem>>) src(%arg10 : memref<128x128xf32, #tpu.memory_space<vmem>>) dst(%dma_wait3A_279 : memref<128x128xf32, #tpu.memory_space<hbm>>)
      } else {
      }
      %lt3A_192 = arith.constant 200 : i32
      %lt3A_193 = arith.cmpi slt, %add3A_183, %lt3A_192 : i32
      %convert_element_type3A_194 = arith.extui %lt3A_193 : i1 to i32
      %cond3A_195 = arith.constant 0 : i32
      %cond3A_196 = arith.cmpi ne, %convert_element_type3A_194, %cond3A_195 : i32
      scf.if %cond3A_196 {
        %dma_start3A_274 = arith.constant 0 : i32
        %dma_start3A_275 = tpu.memref_slice %arg8[%add3A_183, %dma_start3A_274] : memref<200x128xi32, #tpu.memory_space<vmem>> -> memref<1x128xi32, #tpu.memory_space<vmem>>
        %dma_start3A_276 = tpu.memref_squeeze %dma_start3A_275 : memref<1x128xi32, #tpu.memory_space<vmem>> -> memref<128xi32, #tpu.memory_space<vmem>>
        %dma_start3A_277 = arith.constant 0 : i32
        %dma_start3A_278 = arith.constant 0 : i32
        %dma_start3A_279 = tpu.memref_slice %arg9[%dma_start3A_277, %dma_start3A_278] : memref<1440x128xf32, #tpu.memory_space<vmem_shared>> -> memref<1440x128xf32, #tpu.memory_space<vmem_shared>>
        tpu.enqueue_indirect_dma source(%dma_start3A_279 : memref<1440x128xf32, #tpu.memory_space<vmem_shared>>) target(%arg10 : memref<128x128xf32, #tpu.memory_space<vmem>>) offsets(%dma_start3A_276 : memref<128xi32, #tpu.memory_space<vmem>>) semaphore(%arg15 : memref<!tpu.dma_semaphore, #tpu.memory_space<semaphore_mem>>)
      } else {
      }
      %dma_wait3A_197 = arith.constant 0 : i32
      %dma_wait3A_198 = tpu.memref_slice %arg8[%add3A_181, %dma_wait3A_197] : memref<200x128xi32, #tpu.memory_space<vmem>> -> memref<1x128xi32, #tpu.memory_space<vmem>>
      %dma_wait3A_199 = tpu.memref_squeeze %dma_wait3A_198 : memref<1x128xi32, #tpu.memory_space<vmem>> -> memref<128xi32, #tpu.memory_space<vmem>>
      %dma_wait3A_200 = arith.constant 0 : i32
      %dma_wait3A_201 = arith.constant 0 : i32
      %dma_wait3A_202 = tpu.memref_slice %arg9[%dma_wait3A_200, %dma_wait3A_201] : memref<1440x128xf32, #tpu.memory_space<vmem_shared>> -> memref<1440x128xf32, #tpu.memory_space<vmem_shared>>
      tpu.wait_indirect_dma semaphore(%arg17 : memref<!tpu.dma_semaphore, #tpu.memory_space<semaphore_mem>>) src(%dma_wait3A_202 : memref<1440x128xf32, #tpu.memory_space<vmem_shared>>) dst(%arg12 : memref<128x128xf32, #tpu.memory_space<vmem>>)
      %mul3A_203 = arith.constant 128 : i32
      %mul3A_204 = arith.muli %add3A_181, %mul3A_203 : i32
      %add3A_205 = arith.addi %mul3A_2, %mul3A_204 : i32
      %dma_start3A_206 = arith.constant 0 : i32
      %dma_start3A_207 = tpu.memref_slice %arg7[%add3A_205, %dma_start3A_206] : memref<819200x128xf32, #tpu.memory_space<hbm>> -> memref<128x128xf32, #tpu.memory_space<hbm>>
      %dma_start3A_208 = arith.constant 0 : i32
      %dma_start3A_209 = tpu.memref_slice %arg7[%add3A_205, %dma_start3A_208] : memref<819200x128xf32, #tpu.memory_space<hbm>> -> memref<128x128xf32, #tpu.memory_space<hbm>>
      tpu.enqueue_dma source(%arg12 : memref<128x128xf32, #tpu.memory_space<vmem>>) target(%dma_start3A_209 : memref<128x128xf32, #tpu.memory_space<hbm>>) target_semaphore(%arg22 : memref<!tpu.dma_semaphore, #tpu.memory_space<semaphore_mem>>)
      %mul3A_210 = arith.constant 5 : i32
      %mul3A_211 = arith.muli %scan3A_116, %mul3A_210 : i32
      %add3A_212 = arith.constant 3 : i32
      %add3A_213 = arith.addi %mul3A_211, %add3A_212 : i32
      %add3A_214 = arith.constant 3 : i32
      %add3A_215 = arith.addi %add3A_213, %add3A_214 : i32
      %ge3A_216 = arith.constant 2 : i32
      %ge3A_217 = arith.cmpi sge, %add3A_213, %ge3A_216 : i32
      %lt3A_218 = arith.constant 200 : i32
      %lt3A_219 = arith.cmpi slt, %add3A_215, %lt3A_218 : i32
      %and3A_220 = arith.andi %ge3A_217, %lt3A_219 : i1
      %convert_element_type3A_221 = arith.extui %and3A_220 : i1 to i32
      %cond3A_222 = arith.constant 0 : i32
      %cond3A_223 = arith.cmpi ne, %convert_element_type3A_221, %cond3A_222 : i32
      scf.if %cond3A_223 {
        %dma_wait3A_274 = arith.constant 0 : i32
        %dma_wait3A_275 = arith.constant 0 : i32
        %dma_wait3A_276 = tpu.memref_slice %arg7[%dma_wait3A_274, %dma_wait3A_275] : memref<819200x128xf32, #tpu.memory_space<hbm>> -> memref<128x128xf32, #tpu.memory_space<hbm>>
        %dma_wait3A_277 = arith.constant 0 : i32
        %dma_wait3A_278 = arith.constant 0 : i32
        %dma_wait3A_279 = tpu.memref_slice %arg7[%dma_wait3A_277, %dma_wait3A_278] : memref<819200x128xf32, #tpu.memory_space<hbm>> -> memref<128x128xf32, #tpu.memory_space<hbm>>
        tpu.wait_dma2 semaphore(%arg21 : memref<!tpu.dma_semaphore, #tpu.memory_space<semaphore_mem>>) src(%arg11 : memref<128x128xf32, #tpu.memory_space<vmem>>) dst(%dma_wait3A_279 : memref<128x128xf32, #tpu.memory_space<hbm>>)
      } else {
      }
      %lt3A_224 = arith.constant 200 : i32
      %lt3A_225 = arith.cmpi slt, %add3A_215, %lt3A_224 : i32
      %convert_element_type3A_226 = arith.extui %lt3A_225 : i1 to i32
      %cond3A_227 = arith.constant 0 : i32
      %cond3A_228 = arith.cmpi ne, %convert_element_type3A_226, %cond3A_227 : i32
      scf.if %cond3A_228 {
        %dma_start3A_274 = arith.constant 0 : i32
        %dma_start3A_275 = tpu.memref_slice %arg8[%add3A_215, %dma_start3A_274] : memref<200x128xi32, #tpu.memory_space<vmem>> -> memref<1x128xi32, #tpu.memory_space<vmem>>
        %dma_start3A_276 = tpu.memref_squeeze %dma_start3A_275 : memref<1x128xi32, #tpu.memory_space<vmem>> -> memref<128xi32, #tpu.memory_space<vmem>>
        %dma_start3A_277 = arith.constant 0 : i32
        %dma_start3A_278 = arith.constant 0 : i32
        %dma_start3A_279 = tpu.memref_slice %arg9[%dma_start3A_277, %dma_start3A_278] : memref<1440x128xf32, #tpu.memory_space<vmem_shared>> -> memref<1440x128xf32, #tpu.memory_space<vmem_shared>>
        tpu.enqueue_indirect_dma source(%dma_start3A_279 : memref<1440x128xf32, #tpu.memory_space<vmem_shared>>) target(%arg11 : memref<128x128xf32, #tpu.memory_space<vmem>>) offsets(%dma_start3A_276 : memref<128xi32, #tpu.memory_space<vmem>>) semaphore(%arg16 : memref<!tpu.dma_semaphore, #tpu.memory_space<semaphore_mem>>)
      } else {
      }
      %dma_wait3A_229 = arith.constant 0 : i32
      %dma_wait3A_230 = tpu.memref_slice %arg8[%add3A_213, %dma_wait3A_229] : memref<200x128xi32, #tpu.memory_space<vmem>> -> memref<1x128xi32, #tpu.memory_space<vmem>>
      %dma_wait3A_231 = tpu.memref_squeeze %dma_wait3A_230 : memref<1x128xi32, #tpu.memory_space<vmem>> -> memref<128xi32, #tpu.memory_space<vmem>>
      %dma_wait3A_232 = arith.constant 0 : i32
      %dma_wait3A_233 = arith.constant 0 : i32
      %dma_wait3A_234 = tpu.memref_slice %arg9[%dma_wait3A_232, %dma_wait3A_233] : memref<1440x128xf32, #tpu.memory_space<vmem_shared>> -> memref<1440x128xf32, #tpu.memory_space<vmem_shared>>
      tpu.wait_indirect_dma semaphore(%arg18 : memref<!tpu.dma_semaphore, #tpu.memory_space<semaphore_mem>>) src(%dma_wait3A_234 : memref<1440x128xf32, #tpu.memory_space<vmem_shared>>) dst(%arg13 : memref<128x128xf32, #tpu.memory_space<vmem>>)
      %mul3A_235 = arith.constant 128 : i32
      %mul3A_236 = arith.muli %add3A_213, %mul3A_235 : i32
      %add3A_237 = arith.addi %mul3A_2, %mul3A_236 : i32
      %dma_start3A_238 = arith.constant 0 : i32
      %dma_start3A_239 = tpu.memref_slice %arg7[%add3A_237, %dma_start3A_238] : memref<819200x128xf32, #tpu.memory_space<hbm>> -> memref<128x128xf32, #tpu.memory_space<hbm>>
      %dma_start3A_240 = arith.constant 0 : i32
      %dma_start3A_241 = tpu.memref_slice %arg7[%add3A_237, %dma_start3A_240] : memref<819200x128xf32, #tpu.memory_space<hbm>> -> memref<128x128xf32, #tpu.memory_space<hbm>>
      tpu.enqueue_dma source(%arg13 : memref<128x128xf32, #tpu.memory_space<vmem>>) target(%dma_start3A_241 : memref<128x128xf32, #tpu.memory_space<hbm>>) target_semaphore(%arg23 : memref<!tpu.dma_semaphore, #tpu.memory_space<semaphore_mem>>)
      %mul3A_242 = arith.constant 5 : i32
      %mul3A_243 = arith.muli %scan3A_116, %mul3A_242 : i32
      %add3A_244 = arith.constant 4 : i32
      %add3A_245 = arith.addi %mul3A_243, %add3A_244 : i32
      %add3A_246 = arith.constant 3 : i32
      %add3A_247 = arith.addi %add3A_245, %add3A_246 : i32
      %ge3A_248 = arith.constant 2 : i32
      %ge3A_249 = arith.cmpi sge, %add3A_245, %ge3A_248 : i32
      %lt3A_250 = arith.constant 200 : i32
      %lt3A_251 = arith.cmpi slt, %add3A_247, %lt3A_250 : i32
      %and3A_252 = arith.andi %ge3A_249, %lt3A_251 : i1
      %convert_element_type3A_253 = arith.extui %and3A_252 : i1 to i32
      %cond3A_254 = arith.constant 0 : i32
      %cond3A_255 = arith.cmpi ne, %convert_element_type3A_253, %cond3A_254 : i32
      scf.if %cond3A_255 {
        %dma_wait3A_274 = arith.constant 0 : i32
        %dma_wait3A_275 = arith.constant 0 : i32
        %dma_wait3A_276 = tpu.memref_slice %arg7[%dma_wait3A_274, %dma_wait3A_275] : memref<819200x128xf32, #tpu.memory_space<hbm>> -> memref<128x128xf32, #tpu.memory_space<hbm>>
        %dma_wait3A_277 = arith.constant 0 : i32
        %dma_wait3A_278 = arith.constant 0 : i32
        %dma_wait3A_279 = tpu.memref_slice %arg7[%dma_wait3A_277, %dma_wait3A_278] : memref<819200x128xf32, #tpu.memory_space<hbm>> -> memref<128x128xf32, #tpu.memory_space<hbm>>
        tpu.wait_dma2 semaphore(%arg22 : memref<!tpu.dma_semaphore, #tpu.memory_space<semaphore_mem>>) src(%arg12 : memref<128x128xf32, #tpu.memory_space<vmem>>) dst(%dma_wait3A_279 : memref<128x128xf32, #tpu.memory_space<hbm>>)
      } else {
      }
      %lt3A_256 = arith.constant 200 : i32
      %lt3A_257 = arith.cmpi slt, %add3A_247, %lt3A_256 : i32
      %convert_element_type3A_258 = arith.extui %lt3A_257 : i1 to i32
      %cond3A_259 = arith.constant 0 : i32
      %cond3A_260 = arith.cmpi ne, %convert_element_type3A_258, %cond3A_259 : i32
      scf.if %cond3A_260 {
        %dma_start3A_274 = arith.constant 0 : i32
        %dma_start3A_275 = tpu.memref_slice %arg8[%add3A_247, %dma_start3A_274] : memref<200x128xi32, #tpu.memory_space<vmem>> -> memref<1x128xi32, #tpu.memory_space<vmem>>
        %dma_start3A_276 = tpu.memref_squeeze %dma_start3A_275 : memref<1x128xi32, #tpu.memory_space<vmem>> -> memref<128xi32, #tpu.memory_space<vmem>>
        %dma_start3A_277 = arith.constant 0 : i32
        %dma_start3A_278 = arith.constant 0 : i32
        %dma_start3A_279 = tpu.memref_slice %arg9[%dma_start3A_277, %dma_start3A_278] : memref<1440x128xf32, #tpu.memory_space<vmem_shared>> -> memref<1440x128xf32, #tpu.memory_space<vmem_shared>>
        tpu.enqueue_indirect_dma source(%dma_start3A_279 : memref<1440x128xf32, #tpu.memory_space<vmem_shared>>) target(%arg12 : memref<128x128xf32, #tpu.memory_space<vmem>>) offsets(%dma_start3A_276 : memref<128xi32, #tpu.memory_space<vmem>>) semaphore(%arg17 : memref<!tpu.dma_semaphore, #tpu.memory_space<semaphore_mem>>)
      } else {
      }
      %dma_wait3A_261 = arith.constant 0 : i32
      %dma_wait3A_262 = tpu.memref_slice %arg8[%add3A_245, %dma_wait3A_261] : memref<200x128xi32, #tpu.memory_space<vmem>> -> memref<1x128xi32, #tpu.memory_space<vmem>>
      %dma_wait3A_263 = tpu.memref_squeeze %dma_wait3A_262 : memref<1x128xi32, #tpu.memory_space<vmem>> -> memref<128xi32, #tpu.memory_space<vmem>>
      %dma_wait3A_264 = arith.constant 0 : i32
      %dma_wait3A_265 = arith.constant 0 : i32
      %dma_wait3A_266 = tpu.memref_slice %arg9[%dma_wait3A_264, %dma_wait3A_265] : memref<1440x128xf32, #tpu.memory_space<vmem_shared>> -> memref<1440x128xf32, #tpu.memory_space<vmem_shared>>
      tpu.wait_indirect_dma semaphore(%arg19 : memref<!tpu.dma_semaphore, #tpu.memory_space<semaphore_mem>>) src(%dma_wait3A_266 : memref<1440x128xf32, #tpu.memory_space<vmem_shared>>) dst(%arg14 : memref<128x128xf32, #tpu.memory_space<vmem>>)
      %mul3A_267 = arith.constant 128 : i32
      %mul3A_268 = arith.muli %add3A_245, %mul3A_267 : i32
      %add3A_269 = arith.addi %mul3A_2, %mul3A_268 : i32
      %dma_start3A_270 = arith.constant 0 : i32
      %dma_start3A_271 = tpu.memref_slice %arg7[%add3A_269, %dma_start3A_270] : memref<819200x128xf32, #tpu.memory_space<hbm>> -> memref<128x128xf32, #tpu.memory_space<hbm>>
      %dma_start3A_272 = arith.constant 0 : i32
      %dma_start3A_273 = tpu.memref_slice %arg7[%add3A_269, %dma_start3A_272] : memref<819200x128xf32, #tpu.memory_space<hbm>> -> memref<128x128xf32, #tpu.memory_space<hbm>>
      tpu.enqueue_dma source(%arg14 : memref<128x128xf32, #tpu.memory_space<vmem>>) target(%dma_start3A_273 : memref<128x128xf32, #tpu.memory_space<hbm>>) target_semaphore(%arg24 : memref<!tpu.dma_semaphore, #tpu.memory_space<semaphore_mem>>)
    }
    %scan3A_85 = arith.constant 40 : i32
    %dma_wait3A_86 = arith.constant 0 : i32
    %dma_wait3A_87 = arith.constant 0 : i32
    %dma_wait3A_88 = tpu.memref_slice %arg7[%dma_wait3A_86, %dma_wait3A_87] : memref<819200x128xf32, #tpu.memory_space<hbm>> -> memref<128x128xf32, #tpu.memory_space<hbm>>
    %dma_wait3A_89 = arith.constant 0 : i32
    %dma_wait3A_90 = arith.constant 0 : i32
    %dma_wait3A_91 = tpu.memref_slice %arg7[%dma_wait3A_89, %dma_wait3A_90] : memref<819200x128xf32, #tpu.memory_space<hbm>> -> memref<128x128xf32, #tpu.memory_space<hbm>>
    tpu.wait_dma2 semaphore(%arg20 : memref<!tpu.dma_semaphore, #tpu.memory_space<semaphore_mem>>) src(%arg10 : memref<128x128xf32, #tpu.memory_space<vmem>>) dst(%dma_wait3A_91 : memref<128x128xf32, #tpu.memory_space<hbm>>)
    %dma_wait3A_92 = arith.constant 0 : i32
    %dma_wait3A_93 = arith.constant 0 : i32
    %dma_wait3A_94 = tpu.memref_slice %arg7[%dma_wait3A_92, %dma_wait3A_93] : memref<819200x128xf32, #tpu.memory_space<hbm>> -> memref<128x128xf32, #tpu.memory_space<hbm>>
    %dma_wait3A_95 = arith.constant 0 : i32
    %dma_wait3A_96 = arith.constant 0 : i32
    %dma_wait3A_97 = tpu.memref_slice %arg7[%dma_wait3A_95, %dma_wait3A_96] : memref<819200x128xf32, #tpu.memory_space<hbm>> -> memref<128x128xf32, #tpu.memory_space<hbm>>
    tpu.wait_dma2 semaphore(%arg21 : memref<!tpu.dma_semaphore, #tpu.memory_space<semaphore_mem>>) src(%arg11 : memref<128x128xf32, #tpu.memory_space<vmem>>) dst(%dma_wait3A_97 : memref<128x128xf32, #tpu.memory_space<hbm>>)
    %dma_wait3A_98 = arith.constant 0 : i32
    %dma_wait3A_99 = arith.constant 0 : i32
    %dma_wait3A_100 = tpu.memref_slice %arg7[%dma_wait3A_98, %dma_wait3A_99] : memref<819200x128xf32, #tpu.memory_space<hbm>> -> memref<128x128xf32, #tpu.memory_space<hbm>>
    %dma_wait3A_101 = arith.constant 0 : i32
    %dma_wait3A_102 = arith.constant 0 : i32
    %dma_wait3A_103 = tpu.memref_slice %arg7[%dma_wait3A_101, %dma_wait3A_102] : memref<819200x128xf32, #tpu.memory_space<hbm>> -> memref<128x128xf32, #tpu.memory_space<hbm>>
    tpu.wait_dma2 semaphore(%arg22 : memref<!tpu.dma_semaphore, #tpu.memory_space<semaphore_mem>>) src(%arg12 : memref<128x128xf32, #tpu.memory_space<vmem>>) dst(%dma_wait3A_103 : memref<128x128xf32, #tpu.memory_space<hbm>>)
    %dma_wait3A_104 = arith.constant 0 : i32
    %dma_wait3A_105 = arith.constant 0 : i32
    %dma_wait3A_106 = tpu.memref_slice %arg7[%dma_wait3A_104, %dma_wait3A_105] : memref<819200x128xf32, #tpu.memory_space<hbm>> -> memref<128x128xf32, #tpu.memory_space<hbm>>
    %dma_wait3A_107 = arith.constant 0 : i32
    %dma_wait3A_108 = arith.constant 0 : i32
    %dma_wait3A_109 = tpu.memref_slice %arg7[%dma_wait3A_107, %dma_wait3A_108] : memref<819200x128xf32, #tpu.memory_space<hbm>> -> memref<128x128xf32, #tpu.memory_space<hbm>>
    tpu.wait_dma2 semaphore(%arg23 : memref<!tpu.dma_semaphore, #tpu.memory_space<semaphore_mem>>) src(%arg13 : memref<128x128xf32, #tpu.memory_space<vmem>>) dst(%dma_wait3A_109 : memref<128x128xf32, #tpu.memory_space<hbm>>)
    %dma_wait3A_110 = arith.constant 0 : i32
    %dma_wait3A_111 = arith.constant 0 : i32
    %dma_wait3A_112 = tpu.memref_slice %arg7[%dma_wait3A_110, %dma_wait3A_111] : memref<819200x128xf32, #tpu.memory_space<hbm>> -> memref<128x128xf32, #tpu.memory_space<hbm>>
    %dma_wait3A_113 = arith.constant 0 : i32
    %dma_wait3A_114 = arith.constant 0 : i32
    %dma_wait3A_115 = tpu.memref_slice %arg7[%dma_wait3A_113, %dma_wait3A_114] : memref<819200x128xf32, #tpu.memory_space<hbm>> -> memref<128x128xf32, #tpu.memory_space<hbm>>
    tpu.wait_dma2 semaphore(%arg24 : memref<!tpu.dma_semaphore, #tpu.memory_space<semaphore_mem>>) src(%arg14 : memref<128x128xf32, #tpu.memory_space<vmem>>) dst(%dma_wait3A_115 : memref<128x128xf32, #tpu.memory_space<hbm>>)
    return
  }
}

</mosaic_0001>

<sc_bundles>
// kernel: kernel.3.cloned.1.call-start
scs
__scs_entry_jumppad:
0x0: {  	(pc) =	sbr.rel $0x88, $3  }
0x1: {  	(tag) =	ssettag $0x0;
	lr =	simm.s32 $0x1  }
0x2: {  	[smem:$0x3F9D] =	sst lr;
	_ =	strace $0xD0000000  }
0x3: {  	_ = 	snop  }
0x4: {  	_ = 	snop  }
0x5: {  	_ = 	snop  }
0x6: {  	_ = 	snop  }
0x7: {  	_ = 	snop  }
__scs_overlays_trampoline_lowered:
0x8: {  	[smem:$0x3FAC] =	sst s0  }
0x9: {  	[smem:$0x3FAD] =	sst s1  }
0xa: {  	[smem:$0x3FAE] =	sst s2  }
0xb: {  	[smem:$0x3FAF] =	sst s3  }
0xc: {  	[smem:$0x3FB0] =	sst s4  }
0xd: {  	[smem:$0x3FB1] =	sst s5  }
0xe: {  	[smem:$0x3FB2] =	sst s6  }
0xf: {  	[smem:$0x3FB3] =	sst s7  }
0x10: {  	[smem:$0x3FB4] =	sst s8  }
0x11: {  	[smem:$0x3FB5] =	sst s9;
	s0 =	simm.s32 @!p0 $0x0  }
0x12: {  	s1 =	sld [smem:$0x3F9B];
	s0 =	simm.s32 @p0 $0x1  }
0x13: {  	[smem:$0x3FB6] =	sst s0;
	s0 =	simm.s32 @!p1 $0x0  }
0x14: {  	s2 =	sld [smem:$0x3F9A];
	s0 =	simm.s32 @p1 $0x1  }
0x15: {  	[smem:$0x3FB7] =	sst s0;
	s0 =	simm.s32 @!p2 $0x0  }
0x16: {  	s3 =	sld [smem:$0x3FDB];
	s0 =	simm.s32 @p2 $0x1  }
0x17: {  	s4 =	simm.s32 $0x1BF5;
	[smem:$0x3FB9] =	sst s0  }
0x18: {  	s0 =	sld [smem:$0x3F9C];
	_ =	swait.ge [sflag:s4], $0x0  }
0x19: {  	s7 =	sld [smem:$0x3F9D]  }
0x1a: {  	s8 =	sadd.s32 $0xFFFFE003, lr  }
0x1b: {  	s9 =	sadd.s32 $0xFFFFFEF7, lr;
	s5 =	simm.s32 $0xFFFFFFFF;
	p2 =	slt.u32 s8, $0xFFFFF086  }
0x1c: {  	p1 =	slt.u32 s9, $0xF7A;
	s5 =	simm.s32 @!p2 $0x0  }
0x1d: {  	s5 =	simm.s32 @p1 $0x1;
	p0 =	seq.s32 s7, s2  }
0x1e: {  	s7 =	smul.u32 @!p0 $0xF7A, s2;
	p2 =	seq.s32 @!p0 s5, $0x0  }
0x1f: {  	s9 =	smul.u32 $0xF7A, s1;
	s8 =	simm.s32 @!p0 $0x1BF5;
	p2 =	por !p2, p0  }
0x20: {  	[sflag:s8] =	ssyncset.s32 @!p0 $0xFFFFF086;
	s6 =	sadd.s32 @!p0 s3, s7;
	s7 =	simm.s32 @!p0 $0x108  }
0x21: {  	s3 =	sadd.s32 s3, s9;
	s6 =	sadd.s32 @!p0 $0x88, s6;
	s7 =	simm.s32 @p2 $0x1082  }
0x22: {  	[simem:s7], [sflag:s8] =	dma.local @!p0 [hbm:s6], $0xF7A  }
0x23: {  	s9 =	sor.u32 $0xD0000000, s2;
	s6 =	simm.s32 $0x108;
	_ =	swait.ge @!p0 [sflag:s8], $0x0  }
0x24: {  	s3 =	sadd.s32 $0x88, s3;
	s6 =	simm.s32 @!p1 $0x1082;
	[sflag:s4] =	ssyncset.s32 $0xFFFFF086  }
0x25: {  	[simem:s6], [sflag:s4] =	dma.local [hbm:s3], $0xF7A  }
0x26: {  	[smem:$0x3F9D] =	sst s1;
	(tag) =	ssettag s2;
	_ =	strace s9  }
0x27: {  	s1 =	sld [smem:$0x3FAD]  }
0x28: {  	s2 =	sld [smem:$0x3FAE]  }
0x29: {  	s4 =	sld [smem:$0x3FB0]  }
0x2a: {  	p0 =	seq.s32 s5, $0x0;
	s5 =	sld [smem:$0x3FB1]  }
0x2b: {  	s6 =	sld [smem:$0x3FB2]  }
0x2c: {  	s7 =	sld [smem:$0x3FB3]  }
0x2d: {  	s3 =	simm.s32 $0x108;
	s8 =	sld [smem:$0x3FB4]  }
0x2e: {  	s3 =	simm.s32 @!p0 $0x1082;
	s9 =	sld [smem:$0x3FB5]  }
0x2f: {  	lr =	sadd.s32 s0, s3;
	s0 =	sld [smem:$0x3FAC]  }
0x30: {  	s3 =	sld [smem:$0x3FAF]  }
0x31: {  	[smem:$0x3FB8] =	sst s10  }
0x32: {  	s10 =	sld [smem:$0x3FB6];
	_ =	sdelay $0x3  }
0x33: {  	p0 =	seq.s32 s10, $0x1;
	s10 =	sld [smem:$0x3FB8];
	_ =	sdelay $0x3  }
0x34: {  	[smem:$0x3FB8] =	sst s10  }
0x35: {  	s10 =	sld [smem:$0x3FB7];
	_ =	sdelay $0x3  }
0x36: {  	p1 =	seq.s32 s10, $0x1;
	s10 =	sld [smem:$0x3FB8];
	_ =	sdelay $0x3  }
0x37: {  	[smem:$0x3FB8] =	sst s10  }
0x38: {  	s10 =	sld [smem:$0x3FB9]  }
0x39: {  	_ = 	snop;
	(pc) =	sbr.ind lr, $3  }
0x3a: {  	_ = 	snop  }
0x3b: {  	_ = 	snop  }
0x3c: {  	p2 =	seq.s32 s10, $0x1;
	s10 =	sld [smem:$0x3FB8]  }
0x3d: {  	_ =	shalt  }
0x3e: {  	_ =	shalt  }
0x3f: {  	_ =	shalt  }
0x40: {  	_ =	shalt  }
0x41: {  	_ =	shalt  }
0x42: {  	_ =	shalt  }
0x43: {  	_ =	shalt  }
0x44: {  	_ =	shalt  }
0x45: {  	_ =	shalt  }
0x46: {  	_ =	shalt  }
0x47: {  	_ =	shalt  }
0x48: {  	_ =	shalt  }
0x49: {  	_ =	shalt  }
0x4a: {  	_ =	shalt  }
0x4b: {  	_ =	shalt  }
0x4c: {  	_ =	shalt  }
0x4d: {  	_ =	shalt  }
0x4e: {  	_ =	shalt  }
0x4f: {  	_ =	shalt  }
0x50: {  	_ =	shalt  }
0x51: {  	_ =	shalt  }
0x52: {  	_ =	shalt  }
0x53: {  	_ =	shalt  }
0x54: {  	_ =	shalt  }
0x55: {  	_ =	shalt  }
0x56: {  	_ =	shalt  }
0x57: {  	_ =	shalt  }
0x58: {  	_ =	shalt  }
0x59: {  	_ =	shalt  }
0x5a: {  	_ =	shalt  }
0x5b: {  	_ =	shalt  }
0x5c: {  	_ =	shalt  }
0x5d: {  	_ =	shalt  }
0x5e: {  	_ =	shalt  }
0x5f: {  	_ =	shalt  }
0x60: {  	_ =	shalt  }
0x61: {  	_ =	shalt  }
0x62: {  	_ =	shalt  }
0x63: {  	_ =	shalt  }
0x64: {  	_ =	shalt  }
0x65: {  	_ =	shalt  }
0x66: {  	_ =	shalt  }
0x67: {  	_ =	shalt  }
0x68: {  	_ =	shalt  }
0x69: {  	_ =	shalt  }
0x6a: {  	_ =	shalt  }
0x6b: {  	_ =	shalt  }
0x6c: {  	_ =	shalt  }
0x6d: {  	_ =	shalt  }
0x6e: {  	_ =	shalt  }
0x6f: {  	_ =	shalt  }
0x70: {  	_ =	shalt  }
0x71: {  	_ =	shalt  }
0x72: {  	_ =	shalt  }
0x73: {  	_ =	shalt  }
0x74: {  	_ =	shalt  }
0x75: {  	_ =	shalt  }
0x76: {  	_ =	shalt  }
0x77: {  	_ =	shalt  }
0x78: {  	_ =	shalt  }
0x79: {  	_ =	shalt  }
0x7a: {  	_ =	shalt  }
0x7b: {  	_ =	shalt  }
0x7c: {  	_ =	shalt  }
0x7d: {  	_ =	shalt  }
0x7e: {  	_ =	shalt  }
0x7f: {  	_ =	shalt  }
0x80: {  	_ =	shalt  }
0x81: {  	_ =	shalt  }
0x82: {  	_ =	shalt  }
0x83: {  	_ =	shalt  }
0x84: {  	_ =	shalt  }
0x85: {  	_ =	shalt  }
0x86: {  	_ =	shalt  }
0x87: {  	_ =	shalt  }
.Lfunc_end0:
.L_simem_size_0:
called_computation_lowered:
.L_overlay_start_0:
0x88: {  	s2 =	sld [smem:$0x3FD9]  }
0x89: {  	s3 =	sld [smem:$0x3FFE];
	_ =	sdelay $0x1  }
0x8a: {  	s1 =	srdreg.scid  }
0x8b: {  	s0 =	sand.u32 $0x1, s1  }
0x8c: {  	s14 =	sshll.u32 s0, $0xA;
	s2 =	sadd.s32 s3, s2  }
0x8d: {  	s2 =	sadd.s32 s2, s14  }
0x8e: {  	[smem:$0x3FC4] =	sst s2  }
0x8f: {  	_ = 	snop  }
0x90: {  	s2 =	sld [smem:$0x3FD0];
	_ =	sdelay $0x1  }
0x91: {  	s15 =	sld [smem:$0x3FC7]  }
0x92: {  	s5 =	simm.s32 $0xA;
	s6 =	simm.s32 $0x10;
	s4 =	sld [smem:$0x3FC6]  }
0x93: {  	[smem:s6], [sflag:s5] =	dma.local [hbm:s2], $0x1  }
0x94: {  	_ =	swait.eq [sflag:s5], $0x1  }
0x95: {  	[sflag:s5] =	ssyncset.done $0x0  }
0x96: {  	s16 =	sld [smem:$0x10];
	[sflag:s5] =	ssyncadd.s32 $0xFFFFFFFF  }
0x97: {  	s17 =	sld [smem:$0x11];
	(tm) =	ssettm $0x1  }
0x98: {  	s18 =	sld [smem:$0x3FFB];
	_ =	sdelay $0x3  }
0x99: {  	_ =	strace s18  }
0x9a: {  	s6 =	sld [smem:$0x3FFC];
	_ =	sdelay $0x3  }
0x9b: {  	_ =	strace s6  }
0x9c: {  	s6 =	sld [smem:$0x3FFD];
	_ =	sdelay $0x3  }
0x9d: {  	_ =	strace s6  }
0x9e: {  	_ =	strace $0x8FFFFFFF  }
0x9f: {  	s19 =	sld [smem:$0x3FDB];
	_ =	sdelay $0x1  }
0xa0: {  	s7 =	simm.s32 $_scs_section_size  }
0xa1: {  	s8 =	simm.s32 $_size__tile_overlayer_lowered;
	s9 =	simm.s32 $_tile_overlayer_lowered  }
0xa2: {  	s22 =	simm.s32 $0x1BFF;
	s21 =	sshll.u32 s9, $0x1;
	s6 =	sadd.s32 s7, s19  }
0xa3: {  	s10 =	simm.s32 $0x0;
	s20 =	sshll.u32 s8, $0x1;
	s8 =	sadd.s32 s21, s6  }
0xa4: {  	[timem:s10], [sflag:s22] =	dma.local [hbm:s8], s20  }
0xa5: {  	_ =	swait.ge [sflag:s22], s20  }
0xa6: {  	s7 =	ssub.s32 $0x0, s20;
	[sflag:s22] =	ssyncset.done $0x0  }
0xa7: {  	[sflag:s22] =	ssyncadd.s32 s7;
	_ =	sdelay $0x1  }
0xa8: {  	s23 =	simm.s32 $0x1B8B  }
0xa9: {  	_ =	swait.ge [sflag:s23], $0x1  }
0xaa: {  	[sflag:s23] =	ssyncset.done $0x0  }
0xab: {  	s25 =	simm.s32 $0x1B8E;
	s24 =	sld [smem:$0x3FFE];
	[sflag:s23] =	ssyncadd.s32 $0xFFFFFFFF  }
0xac: {  	s26 =	simm.s32 $execute0_lowered;
	[smem:$0x3FD2] =	sst s25  }
0xad: {  	s8 =	sshll.u32 s26, $0x1;
	_ =	strace $0x80000046;
	[dreg:$0x1] =	wrdreg $0xFFFFFFFF  }
0xae: {  	s28 =	simm.s32 $_size_execute0_lowered;
	s6 =	sadd.s32 s6, s8;
	[dreg:$0x0] =	wrdreg $0x0  }
0xaf: {  	s8 =	sshll.u32 s28, $0x1;
	[dreg:$0x2] =	wrdreg s6  }
0xb0: {  	[dreg:$0x3] =	wrdreg s8  }
0xb1: {  	[dreg:$0x4] =	wrdreg $0xC0  }
0xb2: {  	_ =	task [dreg:s10], $0x5FFFF  }
0xb3: {  	[dreg:$0x1] =	wrdreg $0xFFFFFFFF  }
0xb4: {  	[dreg:$0x0] =	wrdreg $0x60  }
0xb5: {  	[dreg:$0x2] =	wrdreg s24  }
0xb6: {  	[dreg:$0x3] =	wrdreg s15  }
0xb7: {  	[dreg:$0x4] =	wrdreg s4  }
0xb8: {  	[dreg:$0x5] =	wrdreg s16  }
0xb9: {  	[dreg:$0x6] =	wrdreg s17  }
0xba: {  	[dreg:$0x7] =	wrdreg $0x64000  }
0xbb: {  	[dreg:$0x8] =	wrdreg $0x9  }
0xbc: {  	_ =	task.clear_ibuf [dreg:s10], $0x9FFFF;
	_ =	strace $0x90000046  }
0xbd: {  	s29 =	simm.s32 $0x9;
	_ =	strace $0x80000048  }
0xbe: {  	_ =	swait.ge [sflag:s29], $0x1  }
0xbf: {  	[sflag:s29] =	ssyncadd.s32 $0xFFFFFFFF  }
0xc0: {  	_ =	strace $0x90000048  }
0xc1: {  	_ =	sfence  }
0xc2: {  	s30 =	sld [smem:$0x0];
	_ =	sdelay $0x2  }
0xc3: {  	s31 =	sshll.u32 s1, $0xD;
	s1 =	sshrl.u32 s1, $0x2  }
0xc4: {  	s3 =	sand.u32 $0x4000, s31;
	s1 =	sadd.s32 s1, s30  }
0xc5: {  	s0 =	sor.u32 s3, s0;
	s1 =	sshll.u32 s1, $0x11  }
0xc6: {  	s0 =	sor.u32 s1, s0  }
0xc7: {  	s0 =	sadd.s32 $0x8F2B, s0  }
0xc8: {  	[sflag:s0] =	ssyncadd.remote.s32 $0x1  }
0xc9: {  	_ =	sfence.sel $0xFFFF  }
0xca: {  	[dreg:$0x0] =	wrdreg $0xFFFFFFFF;
	(pc) =	sbr.abs _section_cstart, $3  }
0xcb: {  	[dreg:$0x1] =	wrdreg $0xFFFFFFFF  }
0xcc: {  	_ =	task.clear_ibuf [dreg:s10], $0x2FFFF;
	_ =	strace $0x9FFFFFFF  }
0xcd: {  	(tm) =	ssettm $0x7FFFFFFF  }
tec
execute0_lowered:
.L_overlay_start_1:
0x0: {  	(tag) =	ssettag $0x1  }
0x1: {  	s1 =	rddreg [dreg:$0x0]  }
0x2: {  	s0 =	rddreg [dreg:$0x1]  }
0x3: {  	s2 =	rddreg [dreg:$0x3];
	s3 =	srdreg.scid  }
0x4: {  	s5 =	stileid.u32;
	s6 =	rddreg [dreg:$0x4];
	s28 =	simm.s32 $0x5  }
0x5: {  	s31 =	simm.s32 $0x8;
	s7 =	sand.u32 $0x1, s3;
	s16 =	smul.u32 $0x640000, s5  }
0x6: {  	s4 =	sshll.u32 s5, $0x1;
	s3 =	rddreg [dreg:$0x5];
	s11 =	smul.u32 $0xC8000, s5  }
0x7: {  	p0 =	sne.s32 s5, $0x0;
	s8 =	sor.u32 s7, s4;
	s18 =	smul.u32 $0x320000, s7  }
0x8: {  	s4 =	simm.s32 $0x0;
	s10 =	ssub.s32 $0x2, s7;
	s7 =	smul.u32 $0x64000, s7  }
0x9: {  	s5 =	simm.s32 $0x0;
	s9 =	smul.u32 $0x6400, s8;
	[smem:$0x7FF] =	sst s4  }
0xa: {  	s14 =	sshrl.u32 s10, $0x1;
	s8 =	smul.u32 $0x64000, s8;
	s21 =	sadd.s32 s11, s2  }
0xb: {  	s11 =	sadd.s32 s11, s6;
	_ =	strace $0x80000047;
	s20 =	sadd.s32 s18, s16  }
0xc: {  	s22 =	sadd.s32 s7, s21;
	s7 =	sadd.s32 s7, s11;
	s18 =	simm.s32 $0x9100  }
0xd: {  	s9 =	sshrl.u32 s9, $0x3;
	s17 =	sadd.s32 $0x62800, s8;
	s26 =	sadd.s32 $0x1000, s7  }
0xe: {  	s1 =	sadd.s32 s9, s1;
	s19 =	sadd.s32 s2, s17;
	[dreg:$0x10] =	wrdreg s26  }
0xf: {  	s24 =	sor.u32 $0xC000, s20;
	s15 =	sadd.s32 $0xA00, s1;
	[dreg:$0x7] =	wrdreg s19  }
0x10: {  	s9 =	ssub.s32 s10, s14;
	s1 =	sadd.s32 $0x19A00, s1;
	[dreg:$0x9] =	wrdreg s15  }
0x11: {  	s10 =	sor.u32 $0x10000, s20;
	s9 =	smax.u32 s9, $0x1;
	[dreg:$0xa] =	wrdreg s1  }
0x12: {  	s10 =	sshrl.u32 s10, $0x3;
	[dreg:$0xb] =	wrdreg s9;
	s1 =	sadd.s32 s6, s17  }
0x13: {  	s26 =	simm.s32 $0x4;
	s23 =	sadd.s32 s10, s2;
	[dreg:$0x8] =	wrdreg s1  }
0x14: {  	s9 =	sor.u32 $0x4000, s20;
	s29 =	sadd.s32 s10, s6;
	[dreg:$0xd] =	wrdreg s23  }
0x15: {  	s1 =	sadd.s32 $0x1000, s22;
	s9 =	sshrl.u32 s9, $0x3;
	[dreg:$0x11] =	wrdreg s29  }
0x16: {  	[dreg:$0xc] =	wrdreg s1;
	s1 =	sshrl.u32 s24, $0x3;
	s30 =	sadd.s32 s9, s6  }
0x17: {  	s19 =	simm.s32 $0xD100;
	s25 =	sadd.s32 s1, s2;
	[dreg:$0x13] =	wrdreg s30  }
0x18: {  	s17 =	simm.s32 $0x80;
	s2 =	sadd.s32 s9, s2;
	[dreg:$0xe] =	wrdreg s25  }
0x19: {  	s22 =	simm.s32 $0x15100;
	s1 =	sadd.s32 s1, s6;
	[dreg:$0xf] =	wrdreg s2  }
0x1a: {  	s23 =	simm.s32 $0x1;
	s24 =	simm.s32 $0x19100;
	[dreg:$0x12] =	wrdreg s1  }
0x1b: {  	s25 =	simm.s32 $0x2;
	s2 =	simm.s32 $0x9;
	s1 =	simm.s32 $0xA  }
.LBB2_1:
0x1c: {  	s6 =	sshrl.u32 @!p0 s3, $0x3;
	s7 =	simm.s32 @!p0 $0x1C0B;
	s8 =	rddreg [dreg:$0x2]  }
0x1d: {  	[spmem:s6], [sflag:s7] =	dma.local @!p0 [hbm:s8], $0x5A00  }
0x1e: {  	s6 =	simm.s32 @!p0 $0xB  }
0x1f: {  	_ =	swait.ge @!p0 [sflag:s6], $0x5A00  }
0x20: {  	[sflag:s6] =	ssyncset.done @!p0 $0x0  }
0x21: {  	[sflag:s6] =	ssyncadd.s32 @!p0 $0xFFFFA600  }
0x22: {  	[bflag:$0x0] =	sbarrier.arrive $0xFFFF  }
0x23: {  	s15 =	simm.s32 $0xB;
	s14 =	rddreg [dreg:$0x9]  }
0x24: {  	[tilespmem:s4], [sflag:$0xB] =	stream.linear.gather [hbm4b:s14+s4], $0x6400, $0x38;
	[tilespmem:$0x1D100] =	vst v63  }
0x25: {  	_ =	swait.ge [sflag:s15], $0x6400  }
0x26: {  	[sflag:s15] =	ssyncset.done $0x0  }
0x27: {  	[sflag:s15] =	ssyncadd.s32 $0xFFFF9C00  }
0x28: {  	[tilespmem:s18], [sflag:$0x1] =	stream.indirect.gather [hbm4b:s0+s17], $0x80, s4, s17, $0xb8;
	[tilespmem:$0x1D100] =	vst v63  }
0x29: {  	p1 =	por $0x1, $0x1  }
0x2a: {  	[tilespmem:s19], [sflag:$0x2] =	stream.indirect.gather [hbm4b:s0+s17], $0x80, s17, s17, $0xb8;
	[tilespmem:$0x1D100] =	vst v63  }
0x2b: {  	s16 =	simm.s32 $0x100;
	s20 =	simm.s32 $0x11100;
	s6 =	simm.s32 @!p1 $0x9  }
0x2c: {  	[tilespmem:s20], [sflag:$0x3] =	stream.indirect.gather [hbm4b:s0+s17], $0x80, s16, s17, $0xb8;
	[tilespmem:$0x1D100] =	vst v63  }
0x2d: {  	_ =	swait.ge @!p1 [sflag:s6], $0x4000  }
0x2e: {  	[sflag:s6] =	ssyncset.done @!p1 $0x0  }
0x2f: {  	s21 =	simm.s32 $0x180;
	[sflag:s6] =	ssyncadd.s32 @!p1 $0xFFFFC000  }
0x30: {  	[tilespmem:s22], [sflag:$0x4] =	stream.indirect.gather [hbm4b:s0+s17], $0x80, s21, s17, $0xb8;
	[tilespmem:$0x1D100] =	vst v63  }
0x31: {  	_ =	swait.ge [sflag:s23], $0x4000  }
0x32: {  	[sflag:s23] =	ssyncset.done $0x0;
	s8 =	rddreg [dreg:$0xc]  }
0x33: {  	s7 =	simm.s32 @!p1 $0xA;
	s29 =	sadd.s32 $0xFFFFF000, s8;
	[sflag:s23] =	ssyncadd.s32 $0xFFFFC000  }
0x34: {  	[hbm4b:s29+s4] =	stream.linear.scatter [tilespmem:s18], [sflag:$0x6], $0x4000, $0x38;
	[tilespmem:$0x1D100] =	vst v63  }
0x35: {  	_ =	swait.ge @!p1 [sflag:s7], $0x4000  }
0x36: {  	[sflag:s7] =	ssyncset.done @!p1 $0x0  }
0x37: {  	s30 =	simm.s32 $0x200;
	[sflag:s7] =	ssyncadd.s32 @!p1 $0xFFFFC000  }
0x38: {  	[tilespmem:s24], [sflag:$0x5] =	stream.indirect.gather [hbm4b:s0+s17], $0x80, s30, s17, $0xb8;
	[tilespmem:$0x1D100] =	vst v63  }
0x39: {  	_ =	swait.ge [sflag:s25], $0x4000  }
0x3a: {  	p1 =	por $0x0, $0x0;
	[sflag:s25] =	ssyncset.done $0x0  }
0x3b: {  	s6 =	simm.s32 @p1 $0x3;
	s13 =	rddreg [dreg:$0xf];
	[sflag:s25] =	ssyncadd.s32 $0xFFFFC000  }
0x3c: {  	[hbm4b:s13+s4] =	stream.linear.scatter [tilespmem:s19], [sflag:$0x7], $0x4000, $0x38;
	[tilespmem:$0x1D100] =	vst v63  }
0x3d: {  	_ =	swait.ge @p1 [sflag:s6], $0x4000  }
0x3e: {  	s9 =	simm.s32 @p1 $0x11100;
	s10 =	simm.s32 @!p1 $0x6;
	[sflag:s6] =	ssyncset.done @p1 $0x0  }
0x3f: {  	s7 =	rddreg [dreg:$0x7];
	[sflag:s6] =	ssyncadd.s32 @p1 $0xFFFFC000;
	s6 =	simm.s32 @p1 $0x0  }
0x40: {  	[hbm4b:s7+s6] =	stream.linear.scatter @p1 [tilespmem:s9], [sflag:$0x8], $0x4000, $0x38;
	[tilespmem:$0x1D100] =	vst v63  }
0x41: {  	_ =	swait.ge @!p1 [sflag:s10], $0x4000  }
0x42: {  	s6 =	simm.s32 @!p1 $0x280;
	s7 =	simm.s32 @!p1 $0x80;
	[sflag:s10] =	ssyncset.done @!p1 $0x0  }
0x43: {  	s9 =	simm.s32 @!p1 $0x9100;
	[sflag:s10] =	ssyncadd.s32 @!p1 $0xFFFFC000;
	s10 =	simm.s32 @!p1 $0x3  }
0x44: {  	[tilespmem:s9], [sflag:$0x1] =	stream.indirect.gather @!p1 [hbm4b:s0+s7], $0x80, s6, s7, $0xb8;
	[tilespmem:$0x1D100] =	vst v63  }
0x45: {  	_ =	swait.ge @!p1 [sflag:s10], $0x4000  }
0x46: {  	s11 =	simm.s32 @!p1 $0x11100;
	[sflag:s10] =	ssyncset.done @!p1 $0x0  }
0x47: {  	s6 =	simm.s32 @!p1 $0x0;
	s9 =	simm.s32 @!p1 $0x7;
	[sflag:s10] =	ssyncadd.s32 @!p1 $0xFFFFC000  }
0x48: {  	[hbm4b:s8+s6] =	stream.linear.scatter @!p1 [tilespmem:s11], [sflag:$0x8], $0x4000, $0x38;
	[tilespmem:$0x1D100] =	vst v63  }
0x49: {  	_ =	swait.ge @!p1 [sflag:s9], $0x4000  }
0x4a: {  	[sflag:s9] =	ssyncset.done @!p1 $0x0  }
0x4b: {  	s10 =	simm.s32 @!p1 $0xD100;
	s6 =	simm.s32 @!p1 $0x300;
	[sflag:s9] =	ssyncadd.s32 @!p1 $0xFFFFC000  }
0x4c: {  	[tilespmem:s10], [sflag:$0x2] =	stream.indirect.gather @!p1 [hbm4b:s0+s7], $0x80, s6, s7, $0xb8;
	[tilespmem:$0x1D100] =	vst v63  }
0x4d: {  	_ =	swait.ge [sflag:s26], $0x4000  }
0x4e: {  	[sflag:s26] =	ssyncset.done $0x0  }
0x4f: {  	s6 =	simm.s32 @!p1 $0x8;
	s12 =	rddreg [dreg:$0xe];
	[sflag:s26] =	ssyncadd.s32 $0xFFFFC000  }
0x50: {  	[hbm4b:s12+s4] =	stream.linear.scatter [tilespmem:s22], [sflag:$0x9], $0x4000, $0x38;
	[tilespmem:$0x1D100] =	vst v63  }
0x51: {  	_ =	swait.ge @!p1 [sflag:s6], $0x4000  }
0x52: {  	p2 =	por $0x0, $0x0;
	s20 =	simm.s32 @!p1 $0x380;
	[sflag:s6] =	ssyncset.done @!p1 $0x0  }
0x53: {  	s21 =	sadd.s32 $0x2800, s13;
	s9 =	simm.s32 $0x1400;
	[sflag:s6] =	ssyncadd.s32 @!p1 $0xFFFFC000  }
0x54: {  	[tilespmem:s11], [sflag:$0x3] =	stream.indirect.gather @!p1 [hbm4b:s0+s7], $0x80, s20, s7, $0xb8;
	[tilespmem:$0x1D100] =	vst v63  }
0x55: {  	s10 =	simm.s32 $0xA00;
	s11 =	rddreg [dreg:$0xd];
	s7 =	sadd.s32 $0x2800, s12  }
0x56: {  	s20 =	sadd.s32 $0x2800, s8;
	s6 =	sadd.s32 $0x2800, s11;
	_ =	swait.ge [sflag:s28], $0x4000  }
.LBB2_2:
0x57: {  	[sflag:s28] =	ssyncset.done $0x0  }
0x58: {  	s14 =	simm.s32 @!p2 $0x9;
	[sflag:s28] =	ssyncadd.s32 $0xFFFFC000  }
0x59: {  	[hbm4b:s11+s4] =	stream.linear.scatter [tilespmem:s24], [sflag:$0xA], $0x4000, $0x38;
	[tilespmem:$0x1D100] =	vst v63  }
0x5a: {  	_ =	swait.ge @!p2 [sflag:s14], $0x4000  }
0x5b: {  	s13 =	sshra.s32 s10, $0x2;
	[sflag:s14] =	ssyncset.done @!p2 $0x0  }
0x5c: {  	s8 =	sadd.s32 $0x180, s13;
	[sflag:s14] =	ssyncadd.s32 @!p2 $0xFFFFC000  }
0x5d: {  	[tilespmem:s22], [sflag:$0x4] =	stream.indirect.gather [hbm4b:s0+s17], $0x80, s8, s17, $0xb8;
	[tilespmem:$0x1D100] =	vst v63  }
0x5e: {  	_ =	swait.ge [sflag:s23], $0x4000  }
0x5f: {  	[sflag:s23] =	ssyncset.done $0x0  }
0x60: {  	s29 =	sadd.s32 $0xFFFFF000, s20;
	s14 =	simm.s32 @!p2 $0xA;
	[sflag:s23] =	ssyncadd.s32 $0xFFFFC000  }
0x61: {  	[hbm4b:s29+s4] =	stream.linear.scatter [tilespmem:s18], [sflag:$0x6], $0x4000, $0x38;
	[tilespmem:$0x1D100] =	vst v63  }
0x62: {  	_ =	swait.ge @!p2 [sflag:s14], $0x4000  }
0x63: {  	[sflag:s14] =	ssyncset.done @!p2 $0x0  }
0x64: {  	s30 =	sadd.s32 $0x200, s13;
	[sflag:s14] =	ssyncadd.s32 @!p2 $0xFFFFC000  }
0x65: {  	[tilespmem:s24], [sflag:$0x5] =	stream.indirect.gather [hbm4b:s0+s17], $0x80, s30, s17, $0xb8;
	[tilespmem:$0x1D100] =	vst v63  }
0x66: {  	_ =	swait.ge [sflag:s25], $0x4000  }
0x67: {  	p2 =	seq.s32 s10, $0x18600;
	[sflag:s25] =	ssyncset.done $0x0  }
0x68: {  	s15 =	smov.u32 s9;
	s8 =	simm.s32 @p2 $0x3;
	[sflag:s25] =	ssyncadd.s32 $0xFFFFC000  }
0x69: {  	[hbm4b:s21+s4] =	stream.linear.scatter [tilespmem:s19], [sflag:$0x7], $0x4000, $0x38;
	[tilespmem:$0x1D100] =	vst v63  }
0x6a: {  	s10 =	sshra.s32 @!p2 s10, $0x2;
	s29 =	simm.s32 @p2 $0x11100;
	_ =	swait.ge @p2 [sflag:s8], $0x4000  }
0x6b: {  	s30 =	simm.s32 @!p2 $0x6;
	s13 =	sadd.s32 @!p2 $0x280, s10;
	[sflag:s8] =	ssyncset.done @p2 $0x0  }
0x6c: {  	s12 =	rddreg [dreg:$0x7];
	[sflag:s8] =	ssyncadd.s32 @p2 $0xFFFFC000;
	s8 =	simm.s32 @p2 $0x0  }
0x6d: {  	[hbm4b:s12+s8] =	stream.linear.scatter @p2 [tilespmem:s29], [sflag:$0x8], $0x4000, $0x38;
	[tilespmem:$0x1D100] =	vst v63  }
0x6e: {  	s14 =	sadd.s32 @!p2 $0x300, s10;
	s16 =	sadd.s32 @!p2 $0x380, s10;
	_ =	swait.ge @!p2 [sflag:s30], $0x4000  }
0x6f: {  	s10 =	smov.u32 s15;
	s15 =	simm.s32 @!p2 $0x3;
	[sflag:s30] =	ssyncset.done @!p2 $0x0  }
0x70: {  	s8 =	simm.s32 @!p2 $0x80;
	s12 =	simm.s32 @!p2 $0x9100;
	[sflag:s30] =	ssyncadd.s32 @!p2 $0xFFFFC000  }
0x71: {  	[tilespmem:s12], [sflag:$0x1] =	stream.indirect.gather @!p2 [hbm4b:s0+s8], $0x80, s13, s8, $0xb8;
	[tilespmem:$0x1D100] =	vst v63  }
0x72: {  	_ =	swait.ge @!p2 [sflag:s15], $0x4000  }
0x73: {  	s12 =	simm.s32 @!p2 $0x0;
	[sflag:s15] =	ssyncset.done @!p2 $0x0  }
0x74: {  	s13 =	simm.s32 @!p2 $0x11100;
	[sflag:s15] =	ssyncadd.s32 @!p2 $0xFFFFC000;
	s15 =	simm.s32 @!p2 $0x7  }
0x75: {  	[hbm4b:s20+s12] =	stream.linear.scatter @!p2 [tilespmem:s13], [sflag:$0x8], $0x4000, $0x38;
	[tilespmem:$0x1D100] =	vst v63  }
0x76: {  	_ =	swait.ge @!p2 [sflag:s15], $0x4000  }
0x77: {  	[sflag:s15] =	ssyncset.done @!p2 $0x0  }
0x78: {  	s12 =	simm.s32 @!p2 $0xD100;
	[sflag:s15] =	ssyncadd.s32 @!p2 $0xFFFFC000  }
0x79: {  	[tilespmem:s12], [sflag:$0x2] =	stream.indirect.gather @!p2 [hbm4b:s0+s8], $0x80, s14, s8, $0xb8;
	[tilespmem:$0x1D100] =	vst v63  }
0x7a: {  	_ =	swait.ge [sflag:s26], $0x4000  }
0x7b: {  	s9 =	sadd.s32 $0xA00, s9;
	[sflag:s26] =	ssyncset.done $0x0  }
0x7c: {  	p1 =	sne.s32 s9, $0x19000;
	s12 =	simm.s32 @!p2 $0x8;
	[sflag:s26] =	ssyncadd.s32 $0xFFFFC000  }
0x7d: {  	[hbm4b:s7+s4] =	stream.linear.scatter [tilespmem:s22], [sflag:$0x9], $0x4000, $0x38;
	[tilespmem:$0x1D100] =	vst v63  }
.Ltmp0:
0x7e: {  	_ =	swait.ge @!p2 [sflag:s12], $0x4000;
	(pc) =	sbr.rel @p1 .LBB2_2-.Ltmp0, $4  }
0x7f: {  	s11 =	smov.u32 s6;
	s6 =	sadd.s32 $0x2800, s6;
	[sflag:s12] =	ssyncset.done @!p2 $0x0  }
0x80: {  	s21 =	sadd.s32 $0x2800, s21;
	s20 =	sadd.s32 $0x2800, s20;
	[sflag:s12] =	ssyncadd.s32 @!p2 $0xFFFFC000  }
0x81: {  	[tilespmem:s13], [sflag:$0x3] =	stream.indirect.gather @!p2 [hbm4b:s0+s8], $0x80, s16, s8, $0xb8;
	[tilespmem:$0x1D100] =	vst v63  }
0x82: {  	s7 =	sadd.s32 $0x2800, s7;
	p2 =	seq.s32 s10, $0x0;
	_ =	swait.ge [sflag:s28], $0x4000  }
0x83: {  	[sflag:s28] =	ssyncset.done $0x0  }
0x84: {  	s8 =	simm.s32 @!p2 $0x9;
	[sflag:s28] =	ssyncadd.s32 $0xFFFFC000  }
0x85: {  	[hbm4b:s11+s4] =	stream.linear.scatter [tilespmem:s24], [sflag:$0xA], $0x4000, $0x38;
	[tilespmem:$0x1D100] =	vst v63  }
0x86: {  	_ =	swait.ge @!p2 [sflag:s8], $0x4000  }
0x87: {  	s9 =	sshra.s32 s10, $0x2;
	[sflag:s8] =	ssyncset.done @!p2 $0x0  }
0x88: {  	s29 =	sadd.s32 $0x180, s9;
	[sflag:s8] =	ssyncadd.s32 @!p2 $0xFFFFC000  }
0x89: {  	[tilespmem:s22], [sflag:$0x4] =	stream.indirect.gather [hbm4b:s0+s17], $0x80, s29, s17, $0xb8;
	[tilespmem:$0x1D100] =	vst v63  }
0x8a: {  	_ =	swait.ge [sflag:s23], $0x4000  }
0x8b: {  	[sflag:s23] =	ssyncset.done $0x0  }
0x8c: {  	s30 =	sadd.s32 $0xFFFFF000, s20;
	s8 =	simm.s32 @!p2 $0xA;
	[sflag:s23] =	ssyncadd.s32 $0xFFFFC000  }
0x8d: {  	[hbm4b:s30+s4] =	stream.linear.scatter [tilespmem:s18], [sflag:$0x6], $0x4000, $0x38;
	[tilespmem:$0x1D100] =	vst v63  }
0x8e: {  	_ =	swait.ge @!p2 [sflag:s8], $0x4000  }
0x8f: {  	[sflag:s8] =	ssyncset.done @!p2 $0x0  }
0x90: {  	s9 =	sadd.s32 $0x200, s9;
	[sflag:s8] =	ssyncadd.s32 @!p2 $0xFFFFC000  }
0x91: {  	[tilespmem:s24], [sflag:$0x5] =	stream.indirect.gather [hbm4b:s0+s17], $0x80, s9, s17, $0xb8;
	[tilespmem:$0x1D100] =	vst v63  }
0x92: {  	_ =	swait.ge [sflag:s25], $0x4000  }
0x93: {  	p1 =	seq.s32 s10, $0x18600;
	[sflag:s25] =	ssyncset.done $0x0  }
0x94: {  	s8 =	simm.s32 @p1 $0x3;
	[sflag:s25] =	ssyncadd.s32 $0xFFFFC000  }
0x95: {  	[hbm4b:s21+s4] =	stream.linear.scatter [tilespmem:s19], [sflag:$0x7], $0x4000, $0x38;
	[tilespmem:$0x1D100] =	vst v63  }
0x96: {  	_ =	swait.ge @p1 [sflag:s8], $0x4000  }
0x97: {  	s11 =	simm.s32 @p1 $0x11100;
	[sflag:s8] =	ssyncset.done @p1 $0x0  }
0x98: {  	s9 =	rddreg [dreg:$0x7];
	[sflag:s8] =	ssyncadd.s32 @p1 $0xFFFFC000;
	s8 =	simm.s32 @p1 $0x0  }
0x99: {  	[hbm4b:s9+s8] =	stream.linear.scatter @p1 [tilespmem:s11], [sflag:$0x8], $0x4000, $0x38;
	[tilespmem:$0x1D100] =	vst v63  }
0x9a: {  	s8 =	simm.s32 @!p1 $0x6  }
0x9b: {  	_ =	swait.ge @!p1 [sflag:s8], $0x4000  }
0x9c: {  	s9 =	sshra.s32 @!p1 s10, $0x2;
	s11 =	simm.s32 @!p1 $0x80;
	[sflag:s8] =	ssyncset.done @!p1 $0x0  }
0x9d: {  	s10 =	sadd.s32 @!p1 $0x280, s9;
	[sflag:s8] =	ssyncadd.s32 @!p1 $0xFFFFC000;
	s8 =	simm.s32 @!p1 $0x9100  }
0x9e: {  	[tilespmem:s8], [sflag:$0x1] =	stream.indirect.gather @!p1 [hbm4b:s0+s11], $0x80, s10, s11, $0xb8;
	[tilespmem:$0x1D100] =	vst v63  }
0x9f: {  	s8 =	simm.s32 @!p1 $0x3  }
0xa0: {  	_ =	swait.ge @!p1 [sflag:s8], $0x4000  }
0xa1: {  	[sflag:s8] =	ssyncset.done @!p1 $0x0  }
0xa2: {  	s10 =	simm.s32 @!p1 $0x0;
	[sflag:s8] =	ssyncadd.s32 @!p1 $0xFFFFC000;
	s8 =	simm.s32 @!p1 $0x11100  }
0xa3: {  	[hbm4b:s20+s10] =	stream.linear.scatter @!p1 [tilespmem:s8], [sflag:$0x8], $0x4000, $0x38;
	[tilespmem:$0x1D100] =	vst v63  }
0xa4: {  	s10 =	simm.s32 @!p1 $0x7  }
0xa5: {  	_ =	swait.ge @!p1 [sflag:s10], $0x4000  }
0xa6: {  	[sflag:s10] =	ssyncset.done @!p1 $0x0  }
0xa7: {  	s12 =	sadd.s32 @!p1 $0x300, s9;
	[sflag:s10] =	ssyncadd.s32 @!p1 $0xFFFFC000;
	s10 =	simm.s32 @!p1 $0xD100  }
0xa8: {  	[tilespmem:s10], [sflag:$0x2] =	stream.indirect.gather @!p1 [hbm4b:s0+s11], $0x80, s12, s11, $0xb8;
	[tilespmem:$0x1D100] =	vst v63  }
0xa9: {  	_ =	swait.ge [sflag:s26], $0x4000  }
0xaa: {  	[sflag:s26] =	ssyncset.done $0x0  }
0xab: {  	s10 =	simm.s32 @!p1 $0x8;
	[sflag:s26] =	ssyncadd.s32 $0xFFFFC000  }
0xac: {  	[hbm4b:s7+s4] =	stream.linear.scatter [tilespmem:s22], [sflag:$0x9], $0x4000, $0x38;
	[tilespmem:$0x1D100] =	vst v63  }
0xad: {  	_ =	swait.ge @!p1 [sflag:s10], $0x4000  }
0xae: {  	[sflag:s10] =	ssyncset.done @!p1 $0x0  }
0xaf: {  	s7 =	sadd.s32 @!p1 $0x380, s9;
	[sflag:s10] =	ssyncadd.s32 @!p1 $0xFFFFC000  }
0xb0: {  	[tilespmem:s8], [sflag:$0x3] =	stream.indirect.gather @!p1 [hbm4b:s0+s11], $0x80, s7, s11, $0xb8;
	[tilespmem:$0x1D100] =	vst v63  }
0xb1: {  	_ =	swait.ge [sflag:s28], $0x4000  }
0xb2: {  	[sflag:s28] =	ssyncset.done $0x0  }
0xb3: {  	s11 =	simm.s32 $0x6;
	[sflag:s28] =	ssyncadd.s32 $0xFFFFC000  }
0xb4: {  	[hbm4b:s6+s4] =	stream.linear.scatter [tilespmem:s24], [sflag:$0xA], $0x4000, $0x38;
	[tilespmem:$0x1D100] =	vst v63  }
0xb5: {  	_ =	swait.ge [sflag:s11], $0x4000  }
0xb6: {  	[sflag:s11] =	ssyncset.done $0x0  }
0xb7: {  	s12 =	simm.s32 $0x7;
	[sflag:s11] =	ssyncadd.s32 $0xFFFFC000  }
0xb8: {  	_ =	swait.ge [sflag:s12], $0x4000  }
0xb9: {  	[sflag:s12] =	ssyncset.done $0x0  }
0xba: {  	[sflag:s12] =	ssyncadd.s32 $0xFFFFC000  }
0xbb: {  	_ =	swait.ge [sflag:s31], $0x4000  }
0xbc: {  	[sflag:s31] =	ssyncset.done $0x0  }
0xbd: {  	[sflag:s31] =	ssyncadd.s32 $0xFFFFC000  }
0xbe: {  	_ =	swait.ge [sflag:s2], $0x4000  }
0xbf: {  	[sflag:s2] =	ssyncset.done $0x0  }
0xc0: {  	[sflag:s2] =	ssyncadd.s32 $0xFFFFC000  }
0xc1: {  	_ =	swait.ge [sflag:s1], $0x4000  }
0xc2: {  	s13 =	simm.s32 $0x0;
	[sflag:s1] =	ssyncset.done $0x0  }
0xc3: {  	s15 =	simm.s32 $0xB;
	s14 =	rddreg [dreg:$0xa];
	[sflag:s1] =	ssyncadd.s32 $0xFFFFC000  }
0xc4: {  	[tilespmem:s13], [sflag:$0xB] =	stream.linear.gather [hbm4b:s14+s13], $0x6400, $0x38;
	[tilespmem:$0x1D100] =	vst v63  }
0xc5: {  	_ =	swait.ge [sflag:s15], $0x6400  }
0xc6: {  	[sflag:s15] =	ssyncset.done $0x0  }
0xc7: {  	[sflag:s15] =	ssyncadd.s32 $0xFFFF9C00  }
0xc8: {  	[tilespmem:s18], [sflag:$0x1] =	stream.indirect.gather [spmem:s3], $0x80, s13, s17, $0xb8;
	[tilespmem:$0x1D100] =	vst v63  }
0xc9: {  	p1 =	por $0x1, $0x1  }
0xca: {  	[tilespmem:s19], [sflag:$0x2] =	stream.indirect.gather [spmem:s3], $0x80, s17, s17, $0xb8;
	[tilespmem:$0x1D100] =	vst v63  }
0xcb: {  	s16 =	simm.s32 $0x100;
	s20 =	simm.s32 $0x11100;
	s6 =	simm.s32 @!p1 $0x9  }
0xcc: {  	[tilespmem:s20], [sflag:$0x3] =	stream.indirect.gather [spmem:s3], $0x80, s16, s17, $0xb8;
	[tilespmem:$0x1D100] =	vst v63  }
0xcd: {  	_ =	swait.ge @!p1 [sflag:s6], $0x4000  }
0xce: {  	[sflag:s6] =	ssyncset.done @!p1 $0x0  }
0xcf: {  	s21 =	simm.s32 $0x180;
	[sflag:s6] =	ssyncadd.s32 @!p1 $0xFFFFC000  }
0xd0: {  	[tilespmem:s22], [sflag:$0x4] =	stream.indirect.gather [spmem:s3], $0x80, s21, s17, $0xb8;
	[tilespmem:$0x1D100] =	vst v63  }
0xd1: {  	_ =	swait.ge [sflag:s23], $0x4000  }
0xd2: {  	[sflag:s23] =	ssyncset.done $0x0;
	s12 =	rddreg [dreg:$0x10]  }
0xd3: {  	s7 =	simm.s32 @!p1 $0xA;
	s29 =	sadd.s32 $0xFFFFF000, s12;
	[sflag:s23] =	ssyncadd.s32 $0xFFFFC000  }
0xd4: {  	[hbm4b:s29+s4] =	stream.linear.scatter [tilespmem:s18], [sflag:$0x6], $0x4000, $0x38;
	[tilespmem:$0x1D100] =	vst v63  }
0xd5: {  	_ =	swait.ge @!p1 [sflag:s7], $0x4000  }
0xd6: {  	[sflag:s7] =	ssyncset.done @!p1 $0x0  }
0xd7: {  	s30 =	simm.s32 $0x200;
	[sflag:s7] =	ssyncadd.s32 @!p1 $0xFFFFC000  }
0xd8: {  	[tilespmem:s24], [sflag:$0x5] =	stream.indirect.gather [spmem:s3], $0x80, s30, s17, $0xb8;
	[tilespmem:$0x1D100] =	vst v63  }
0xd9: {  	_ =	swait.ge [sflag:s25], $0x4000  }
0xda: {  	p1 =	por $0x0, $0x0;
	[sflag:s25] =	ssyncset.done $0x0  }
0xdb: {  	s6 =	simm.s32 @p1 $0x3;
	s14 =	rddreg [dreg:$0x13];
	[sflag:s25] =	ssyncadd.s32 $0xFFFFC000  }
0xdc: {  	[hbm4b:s14+s4] =	stream.linear.scatter [tilespmem:s19], [sflag:$0x7], $0x4000, $0x38;
	[tilespmem:$0x1D100] =	vst v63  }
0xdd: {  	_ =	swait.ge @p1 [sflag:s6], $0x4000  }
0xde: {  	s8 =	simm.s32 @p1 $0x11100;
	s9 =	simm.s32 @!p1 $0x6;
	[sflag:s6] =	ssyncset.done @p1 $0x0  }
0xdf: {  	s7 =	rddreg [dreg:$0x8];
	[sflag:s6] =	ssyncadd.s32 @p1 $0xFFFFC000;
	s6 =	simm.s32 @p1 $0x0  }
0xe0: {  	[hbm4b:s7+s6] =	stream.linear.scatter @p1 [tilespmem:s8], [sflag:$0x8], $0x4000, $0x38;
	[tilespmem:$0x1D100] =	vst v63  }
0xe1: {  	_ =	swait.ge @!p1 [sflag:s9], $0x4000  }
0xe2: {  	s6 =	simm.s32 @!p1 $0x280;
	s7 =	simm.s32 @!p1 $0x80;
	[sflag:s9] =	ssyncset.done @!p1 $0x0  }
0xe3: {  	s8 =	simm.s32 @!p1 $0x9100;
	[sflag:s9] =	ssyncadd.s32 @!p1 $0xFFFFC000;
	s9 =	simm.s32 @!p1 $0x3  }
0xe4: {  	[tilespmem:s8], [sflag:$0x1] =	stream.indirect.gather @!p1 [spmem:s3], $0x80, s6, s7, $0xb8;
	[tilespmem:$0x1D100] =	vst v63  }
0xe5: {  	_ =	swait.ge @!p1 [sflag:s9], $0x4000  }
0xe6: {  	s6 =	simm.s32 @!p1 $0x0;
	[sflag:s9] =	ssyncset.done @!p1 $0x0  }
0xe7: {  	s8 =	simm.s32 @!p1 $0x11100;
	[sflag:s9] =	ssyncadd.s32 @!p1 $0xFFFFC000;
	s9 =	simm.s32 @!p1 $0x7  }
0xe8: {  	[hbm4b:s12+s6] =	stream.linear.scatter @!p1 [tilespmem:s8], [sflag:$0x8], $0x4000, $0x38;
	[tilespmem:$0x1D100] =	vst v63  }
0xe9: {  	_ =	swait.ge @!p1 [sflag:s9], $0x4000  }
0xea: {  	[sflag:s9] =	ssyncset.done @!p1 $0x0  }
0xeb: {  	s10 =	simm.s32 @!p1 $0xD100;
	s6 =	simm.s32 @!p1 $0x300;
	[sflag:s9] =	ssyncadd.s32 @!p1 $0xFFFFC000  }
0xec: {  	[tilespmem:s10], [sflag:$0x2] =	stream.indirect.gather @!p1 [spmem:s3], $0x80, s6, s7, $0xb8;
	[tilespmem:$0x1D100] =	vst v63  }
0xed: {  	_ =	swait.ge [sflag:s26], $0x4000  }
0xee: {  	[sflag:s26] =	ssyncset.done $0x0  }
0xef: {  	s6 =	simm.s32 @!p1 $0x8;
	s13 =	rddreg [dreg:$0x12];
	[sflag:s26] =	ssyncadd.s32 $0xFFFFC000  }
0xf0: {  	[hbm4b:s13+s4] =	stream.linear.scatter [tilespmem:s22], [sflag:$0x9], $0x4000, $0x38;
	[tilespmem:$0x1D100] =	vst v63  }
0xf1: {  	_ =	swait.ge @!p1 [sflag:s6], $0x4000  }
0xf2: {  	p2 =	por $0x0, $0x0;
	s20 =	sadd.s32 $0x2800, s12;
	[sflag:s6] =	ssyncset.done @!p1 $0x0  }
0xf3: {  	s11 =	simm.s32 @!p1 $0x380;
	s21 =	sadd.s32 $0x2800, s14;
	[sflag:s6] =	ssyncadd.s32 @!p1 $0xFFFFC000  }
0xf4: {  	[tilespmem:s8], [sflag:$0x3] =	stream.indirect.gather @!p1 [spmem:s3], $0x80, s11, s7, $0xb8;
	[tilespmem:$0x1D100] =	vst v63  }
0xf5: {  	s9 =	simm.s32 $0x1400;
	s10 =	simm.s32 $0xA00;
	s11 =	rddreg [dreg:$0x11]  }
0xf6: {  	s7 =	sadd.s32 $0x2800, s13;
	s6 =	sadd.s32 $0x2800, s11;
	_ =	swait.ge [sflag:s28], $0x4000  }
.LBB2_4:
0xf7: {  	[sflag:s28] =	ssyncset.done $0x0  }
0xf8: {  	s8 =	simm.s32 @!p2 $0x9;
	[sflag:s28] =	ssyncadd.s32 $0xFFFFC000  }
0xf9: {  	[hbm4b:s11+s4] =	stream.linear.scatter [tilespmem:s24], [sflag:$0xA], $0x4000, $0x38;
	[tilespmem:$0x1D100] =	vst v63  }
0xfa: {  	_ =	swait.ge @!p2 [sflag:s8], $0x4000  }
0xfb: {  	s13 =	sshra.s32 s10, $0x2;
	[sflag:s8] =	ssyncset.done @!p2 $0x0  }
0xfc: {  	s14 =	sadd.s32 $0x180, s13;
	[sflag:s8] =	ssyncadd.s32 @!p2 $0xFFFFC000  }
0xfd: {  	[tilespmem:s22], [sflag:$0x4] =	stream.indirect.gather [spmem:s3], $0x80, s14, s17, $0xb8;
	[tilespmem:$0x1D100] =	vst v63  }
0xfe: {  	_ =	swait.ge [sflag:s23], $0x4000  }
0xff: {  	[sflag:s23] =	ssyncset.done $0x0  }
0x100: {  	s29 =	sadd.s32 $0xFFFFF000, s20;
	s14 =	simm.s32 @!p2 $0xA;
	[sflag:s23] =	ssyncadd.s32 $0xFFFFC000  }
0x101: {  	[hbm4b:s29+s4] =	stream.linear.scatter [tilespmem:s18], [sflag:$0x6], $0x4000, $0x38;
	[tilespmem:$0x1D100] =	vst v63  }
0x102: {  	_ =	swait.ge @!p2 [sflag:s14], $0x4000  }
0x103: {  	[sflag:s14] =	ssyncset.done @!p2 $0x0  }
0x104: {  	s30 =	sadd.s32 $0x200, s13;
	[sflag:s14] =	ssyncadd.s32 @!p2 $0xFFFFC000  }
0x105: {  	[tilespmem:s24], [sflag:$0x5] =	stream.indirect.gather [spmem:s3], $0x80, s30, s17, $0xb8;
	[tilespmem:$0x1D100] =	vst v63  }
0x106: {  	_ =	swait.ge [sflag:s25], $0x4000  }
0x107: {  	p2 =	seq.s32 s10, $0x18600;
	[sflag:s25] =	ssyncset.done $0x0  }
0x108: {  	s12 =	smov.u32 s9;
	s8 =	simm.s32 @p2 $0x3;
	[sflag:s25] =	ssyncadd.s32 $0xFFFFC000  }
0x109: {  	[hbm4b:s21+s4] =	stream.linear.scatter [tilespmem:s19], [sflag:$0x7], $0x4000, $0x38;
	[tilespmem:$0x1D100] =	vst v63  }
0x10a: {  	s10 =	sshra.s32 @!p2 s10, $0x2;
	s29 =	simm.s32 @p2 $0x11100;
	_ =	swait.ge @p2 [sflag:s8], $0x4000  }
0x10b: {  	s30 =	simm.s32 @!p2 $0x6;
	s13 =	sadd.s32 @!p2 $0x280, s10;
	[sflag:s8] =	ssyncset.done @p2 $0x0  }
0x10c: {  	s15 =	rddreg [dreg:$0x8];
	[sflag:s8] =	ssyncadd.s32 @p2 $0xFFFFC000;
	s8 =	simm.s32 @p2 $0x0  }
0x10d: {  	[hbm4b:s15+s8] =	stream.linear.scatter @p2 [tilespmem:s29], [sflag:$0x8], $0x4000, $0x38;
	[tilespmem:$0x1D100] =	vst v63  }
0x10e: {  	s14 =	sadd.s32 @!p2 $0x300, s10;
	s16 =	sadd.s32 @!p2 $0x380, s10;
	_ =	swait.ge @!p2 [sflag:s30], $0x4000  }
0x10f: {  	s10 =	smov.u32 s12;
	s12 =	simm.s32 @!p2 $0x9100;
	[sflag:s30] =	ssyncset.done @!p2 $0x0  }
0x110: {  	s8 =	simm.s32 @!p2 $0x80;
	s15 =	simm.s32 @!p2 $0x3;
	[sflag:s30] =	ssyncadd.s32 @!p2 $0xFFFFC000  }
0x111: {  	[tilespmem:s12], [sflag:$0x1] =	stream.indirect.gather @!p2 [spmem:s3], $0x80, s13, s8, $0xb8;
	[tilespmem:$0x1D100] =	vst v63  }
0x112: {  	_ =	swait.ge @!p2 [sflag:s15], $0x4000  }
0x113: {  	s12 =	simm.s32 @!p2 $0x0;
	[sflag:s15] =	ssyncset.done @!p2 $0x0  }
0x114: {  	s13 =	simm.s32 @!p2 $0x11100;
	[sflag:s15] =	ssyncadd.s32 @!p2 $0xFFFFC000;
	s15 =	simm.s32 @!p2 $0x7  }
0x115: {  	[hbm4b:s20+s12] =	stream.linear.scatter @!p2 [tilespmem:s13], [sflag:$0x8], $0x4000, $0x38;
	[tilespmem:$0x1D100] =	vst v63  }
0x116: {  	_ =	swait.ge @!p2 [sflag:s15], $0x4000  }
0x117: {  	[sflag:s15] =	ssyncset.done @!p2 $0x0  }
0x118: {  	s12 =	simm.s32 @!p2 $0xD100;
	[sflag:s15] =	ssyncadd.s32 @!p2 $0xFFFFC000  }
0x119: {  	[tilespmem:s12], [sflag:$0x2] =	stream.indirect.gather @!p2 [spmem:s3], $0x80, s14, s8, $0xb8;
	[tilespmem:$0x1D100] =	vst v63  }
0x11a: {  	_ =	swait.ge [sflag:s26], $0x4000  }
0x11b: {  	s9 =	sadd.s32 $0xA00, s9;
	[sflag:s26] =	ssyncset.done $0x0  }
0x11c: {  	p1 =	sne.s32 s9, $0x19000;
	s12 =	simm.s32 @!p2 $0x8;
	[sflag:s26] =	ssyncadd.s32 $0xFFFFC000  }
0x11d: {  	[hbm4b:s7+s4] =	stream.linear.scatter [tilespmem:s22], [sflag:$0x9], $0x4000, $0x38;
	[tilespmem:$0x1D100] =	vst v63  }
.Ltmp1:
0x11e: {  	_ =	swait.ge @!p2 [sflag:s12], $0x4000;
	(pc) =	sbr.rel @p1 .LBB2_4-.Ltmp1, $4  }
0x11f: {  	s11 =	smov.u32 s6;
	s6 =	sadd.s32 $0x2800, s6;
	[sflag:s12] =	ssyncset.done @!p2 $0x0  }
0x120: {  	s21 =	sadd.s32 $0x2800, s21;
	s20 =	sadd.s32 $0x2800, s20;
	[sflag:s12] =	ssyncadd.s32 @!p2 $0xFFFFC000  }
0x121: {  	[tilespmem:s13], [sflag:$0x3] =	stream.indirect.gather @!p2 [spmem:s3], $0x80, s16, s8, $0xb8;
	[tilespmem:$0x1D100] =	vst v63  }
0x122: {  	s7 =	sadd.s32 $0x2800, s7;
	p2 =	seq.s32 s10, $0x0;
	_ =	swait.ge [sflag:s28], $0x4000  }
0x123: {  	[sflag:s28] =	ssyncset.done $0x0  }
0x124: {  	s8 =	simm.s32 @!p2 $0x9;
	[sflag:s28] =	ssyncadd.s32 $0xFFFFC000  }
0x125: {  	[hbm4b:s11+s4] =	stream.linear.scatter [tilespmem:s24], [sflag:$0xA], $0x4000, $0x38;
	[tilespmem:$0x1D100] =	vst v63  }
0x126: {  	_ =	swait.ge @!p2 [sflag:s8], $0x4000  }
0x127: {  	s9 =	sshra.s32 s10, $0x2;
	[sflag:s8] =	ssyncset.done @!p2 $0x0  }
0x128: {  	s15 =	sadd.s32 $0x180, s9;
	[sflag:s8] =	ssyncadd.s32 @!p2 $0xFFFFC000  }
0x129: {  	[tilespmem:s22], [sflag:$0x4] =	stream.indirect.gather [spmem:s3], $0x80, s15, s17, $0xb8;
	[tilespmem:$0x1D100] =	vst v63  }
0x12a: {  	_ =	swait.ge [sflag:s23], $0x4000  }
0x12b: {  	[sflag:s23] =	ssyncset.done $0x0  }
0x12c: {  	s16 =	sadd.s32 $0xFFFFF000, s20;
	s8 =	simm.s32 @!p2 $0xA;
	[sflag:s23] =	ssyncadd.s32 $0xFFFFC000  }
0x12d: {  	[hbm4b:s16+s4] =	stream.linear.scatter [tilespmem:s18], [sflag:$0x6], $0x4000, $0x38;
	[tilespmem:$0x1D100] =	vst v63  }
0x12e: {  	_ =	swait.ge @!p2 [sflag:s8], $0x4000  }
0x12f: {  	[sflag:s8] =	ssyncset.done @!p2 $0x0  }
0x130: {  	s9 =	sadd.s32 $0x200, s9;
	[sflag:s8] =	ssyncadd.s32 @!p2 $0xFFFFC000  }
0x131: {  	[tilespmem:s24], [sflag:$0x5] =	stream.indirect.gather [spmem:s3], $0x80, s9, s17, $0xb8;
	[tilespmem:$0x1D100] =	vst v63  }
0x132: {  	_ =	swait.ge [sflag:s25], $0x4000  }
0x133: {  	p1 =	seq.s32 s10, $0x18600;
	[sflag:s25] =	ssyncset.done $0x0  }
0x134: {  	s8 =	simm.s32 @p1 $0x3;
	[sflag:s25] =	ssyncadd.s32 $0xFFFFC000  }
0x135: {  	[hbm4b:s21+s4] =	stream.linear.scatter [tilespmem:s19], [sflag:$0x7], $0x4000, $0x38;
	[tilespmem:$0x1D100] =	vst v63  }
0x136: {  	_ =	swait.ge @p1 [sflag:s8], $0x4000  }
0x137: {  	s11 =	simm.s32 @p1 $0x11100;
	[sflag:s8] =	ssyncset.done @p1 $0x0  }
0x138: {  	s9 =	rddreg [dreg:$0x8];
	[sflag:s8] =	ssyncadd.s32 @p1 $0xFFFFC000;
	s8 =	simm.s32 @p1 $0x0  }
0x139: {  	[hbm4b:s9+s8] =	stream.linear.scatter @p1 [tilespmem:s11], [sflag:$0x8], $0x4000, $0x38;
	[tilespmem:$0x1D100] =	vst v63  }
0x13a: {  	s8 =	simm.s32 @!p1 $0x6  }
0x13b: {  	_ =	swait.ge @!p1 [sflag:s8], $0x4000  }
0x13c: {  	s9 =	sshra.s32 @!p1 s10, $0x2;
	s11 =	simm.s32 @!p1 $0x80;
	[sflag:s8] =	ssyncset.done @!p1 $0x0  }
0x13d: {  	s10 =	sadd.s32 @!p1 $0x280, s9;
	[sflag:s8] =	ssyncadd.s32 @!p1 $0xFFFFC000;
	s8 =	simm.s32 @!p1 $0x9100  }
0x13e: {  	[tilespmem:s8], [sflag:$0x1] =	stream.indirect.gather @!p1 [spmem:s3], $0x80, s10, s11, $0xb8;
	[tilespmem:$0x1D100] =	vst v63  }
0x13f: {  	s8 =	simm.s32 @!p1 $0x3  }
0x140: {  	_ =	swait.ge @!p1 [sflag:s8], $0x4000  }
0x141: {  	[sflag:s8] =	ssyncset.done @!p1 $0x0  }
0x142: {  	s10 =	simm.s32 @!p1 $0x0;
	[sflag:s8] =	ssyncadd.s32 @!p1 $0xFFFFC000;
	s8 =	simm.s32 @!p1 $0x11100  }
0x143: {  	[hbm4b:s20+s10] =	stream.linear.scatter @!p1 [tilespmem:s8], [sflag:$0x8], $0x4000, $0x38;
	[tilespmem:$0x1D100] =	vst v63  }
0x144: {  	s10 =	simm.s32 @!p1 $0x7  }
0x145: {  	_ =	swait.ge @!p1 [sflag:s10], $0x4000  }
0x146: {  	[sflag:s10] =	ssyncset.done @!p1 $0x0  }
0x147: {  	s12 =	sadd.s32 @!p1 $0x300, s9;
	[sflag:s10] =	ssyncadd.s32 @!p1 $0xFFFFC000;
	s10 =	simm.s32 @!p1 $0xD100  }
0x148: {  	[tilespmem:s10], [sflag:$0x2] =	stream.indirect.gather @!p1 [spmem:s3], $0x80, s12, s11, $0xb8;
	[tilespmem:$0x1D100] =	vst v63  }
0x149: {  	_ =	swait.ge [sflag:s26], $0x4000  }
0x14a: {  	[sflag:s26] =	ssyncset.done $0x0  }
0x14b: {  	[sflag:s26] =	ssyncadd.s32 $0xFFFFC000  }
0x14c: {  	[hbm4b:s7+s4] =	stream.linear.scatter [tilespmem:s22], [sflag:$0x9], $0x4000, $0x38;
	[tilespmem:$0x1D100] =	vst v63  }
0x14d: {  	s7 =	simm.s32 @!p1 $0x8  }
0x14e: {  	_ =	swait.ge @!p1 [sflag:s7], $0x4000  }
0x14f: {  	[sflag:s7] =	ssyncset.done @!p1 $0x0  }
0x150: {  	[sflag:s7] =	ssyncadd.s32 @!p1 $0xFFFFC000;
	s7 =	sadd.s32 @!p1 $0x380, s9  }
0x151: {  	[tilespmem:s8], [sflag:$0x3] =	stream.indirect.gather @!p1 [spmem:s3], $0x80, s7, s11, $0xb8;
	[tilespmem:$0x1D100] =	vst v63  }
0x152: {  	_ =	swait.ge [sflag:s28], $0x4000  }
0x153: {  	[sflag:s28] =	ssyncset.done $0x0  }
0x154: {  	s21 =	simm.s32 $0x6;
	[sflag:s28] =	ssyncadd.s32 $0xFFFFC000  }
0x155: {  	[hbm4b:s6+s4] =	stream.linear.scatter [tilespmem:s24], [sflag:$0xA], $0x4000, $0x38;
	[tilespmem:$0x1D100] =	vst v63  }
0x156: {  	_ =	swait.ge [sflag:s21], $0x4000  }
0x157: {  	[sflag:s21] =	ssyncset.done $0x0  }
0x158: {  	s29 =	simm.s32 $0x7;
	[sflag:s21] =	ssyncadd.s32 $0xFFFFC000  }
0x159: {  	_ =	swait.ge [sflag:s29], $0x4000  }
0x15a: {  	[sflag:s29] =	ssyncset.done $0x0  }
0x15b: {  	[sflag:s29] =	ssyncadd.s32 $0xFFFFC000  }
0x15c: {  	_ =	swait.ge [sflag:s31], $0x4000  }
0x15d: {  	[sflag:s31] =	ssyncset.done $0x0  }
0x15e: {  	[sflag:s31] =	ssyncadd.s32 $0xFFFFC000  }
0x15f: {  	_ =	swait.ge [sflag:s2], $0x4000  }
0x160: {  	[sflag:s2] =	ssyncset.done $0x0  }
0x161: {  	[sflag:s2] =	ssyncadd.s32 $0xFFFFC000  }
0x162: {  	_ =	swait.ge [sflag:s1], $0x4000  }
0x163: {  	s5 =	sadd.s32 $0x1, s5;
	s30 =	rddreg [dreg:$0xb]  }
0x164: {  	p1 =	sne.s32 s5, s30  }
.Ltmp2:
0x165: {  	_ = 	snop;
	(pc) =	sbr.rel @p1 .LBB2_1-.Ltmp2, $3  }
0x166: {  	_ =	sdelay $0x1  }
0x167: {  	[sflag:s1] =	ssyncset.done $0x0  }
0x168: {  	[sflag:s1] =	ssyncadd.s32 $0xFFFFC000  }
0x169: {  	_ =	sfence.sel $0x180000  }
0x16a: {  	[bflag:$0x0] =	sbarrier.arrive $0xFFFF  }
0x16b: {  	_ =	strace $0x90000047  }
0x16c: {  	[bflag:$0x2] =	sbarrier.arrive $0xFFFF  }
0x16d: {  	s0 =	rddreg [dreg:$0x6]  }
0x16e: {  	s0 =	sadd.s32 @!p0 $0x100000, s0  }
0x16f: {  	[sflag:s0] =	ssyncadd.tile.s32 @!p0 $0x1;
	_ =	shalt  }
.Lfunc_end2:
_tile_overlayer_lowered:
.L_overlay_start_2:
0x170: {  	(tag) =	ssettag $0x2  }
0x171: {  	s0 =	rddreg [dreg:$0x0];
	s2 =	stileid.u32  }
0x172: {  	s1 =	rddreg [dreg:$0x1];
	p0 =	sne.s32 s2, $0x0  }
0x173: {  	s3 =	rddreg [dreg:$0x2];
	[bflag:$0x3] =	sbarrier.arrive $0xFFFF;
	s2 =	simm.s32 @!p0 $0x1C0B  }
0x174: {  	[timem:s3], [sflag:s2] =	dma.local @!p0 [hbm:s0], s1  }
0x175: {  	s0 =	simm.s32 @!p0 $0xB  }
0x176: {  	_ =	swait.ge @!p0 [sflag:s0], s1  }
0x177: {  	s1 =	ssub.s32 @!p0 $0x0, s1;
	[sflag:s0] =	ssyncset.done @!p0 $0x0  }
0x178: {  	[sflag:s0] =	ssyncadd.s32 @!p0 s1  }
0x179: {  	[bflag:$0x3] =	sbarrier.arrive $0xFFFF  }
0x17a: {  	_ =	shalt  }

</sc_bundles>
